<compile_context>
chip_gen: v7x
topology: tpu7x:2x2x1
jax: 0.10.2.dev20260603
libtpu: 0.0.44.dev20260713+nightly
codegen_flags: <defaults>
</compile_context>

<pallas_src>
import functools

import jax
import jax.numpy as jnp
from jax import lax
from jax.experimental import pallas as pl
from jax.experimental.pallas import tpu as pltpu
from jax.experimental.pallas import tpu_sc as plsc

_HIGH = lax.Precision.HIGHEST

_NC = 2
_NS = 16
_NW = _NC * _NS
_GR = 80
_CH = 5


def _silu(x):
    return x * jax.nn.sigmoid(x)


def _dot(a, b):
    return lax.dot_general(a, b, (((1,), (0,)), ((), ())), precision=_HIGH)


def _prep_body(h_ref, x_ref, wa_ref, wb_ref, ti_ref, tj_ref):
    h = h_ref[...]
    x = x_ref[...]
    ti_ref[...] = jnp.concatenate([_dot(h, wa_ref[...]), x], axis=1)
    tj_ref[...] = jnp.concatenate([_dot(h, wb_ref[...]), -x], axis=1)


def _edge_body(gi_ref, gj_ref, st_ref, rest_ref, w1sc_ref, w1st_ref, be1_ref,
               we2_ref, be2_ref, wg1sc_ref, wg1st_ref, bg1_ref, wg2_ref,
               bg2_ref, out_ref):
    s = gi_ref[...] + gj_ref[...]
    sl = s[:, 0:64]
    dvec = s[:, 64:80]
    dist2 = jnp.sum(dvec * dvec, axis=1, keepdims=True)
    dist = jnp.sqrt(dist2 + 1e-9)
    rest = rest_ref[...]
    delta = (dist - rest) / (rest + 1e-9)
    st = st_ref[...]
    w1sc = w1sc_ref[...]
    h1 = (sl + dist2 * w1sc[0:1, :] + delta * w1sc[1:2, :]
          + _dot(st, w1st_ref[...]) + be1_ref[...])
    e = _silu(_dot(_silu(h1), we2_ref[...]) + be2_ref[...])
    wg1sc = wg1sc_ref[...]
    g1 = (dist2 * wg1sc[0:1, :] + delta * wg1sc[1:2, :]
          + _dot(st, wg1st_ref[...]) + bg1_ref[...])
    g2 = jnp.sum(_silu(g1) * wg2_ref[...], axis=1, keepdims=True) + bg2_ref[...]
    out_ref[...] = e * jax.nn.sigmoid(g2)


def _node_body(h_ref, a0_ref, a1_ref, wnh_ref, wna_ref, bn1_ref, wn2_ref,
               bn2_ref, lg_ref, lb_ref, out_ref):
    h = h_ref[...]
    agg = a0_ref[...] + a1_ref[...]
    t = _silu(_dot(h, wnh_ref[...]) + _dot(agg, wna_ref[...]) + bn1_ref[...])
    res = h + _dot(t, wn2_ref[...]) + bn2_ref[...]
    mu = jnp.mean(res, axis=1, keepdims=True)
    c = res - mu
    var = jnp.mean(c * c, axis=1, keepdims=True)
    out_ref[...] = c * lax.rsqrt(var + 1e-5) * lg_ref[...] + lb_ref[...]


def _make_gather(E, N, W):
    rows = E // _GR
    rt = rows // _NW
    nmac = rt // _CH
    epm = _GR * _CH
    ept = E // _NW
    assert rt * _NW == rows and nmac * _CH == rt
    mesh = plsc.VectorSubcoreMesh(core_axis_name="c", subcore_axis_name="s",
                                  num_cores=_NC, num_subcores=_NS)
    f32 = jnp.float32

    @functools.partial(
        pl.kernel, mesh=mesh,
        out_type=(jax.ShapeDtypeStruct((E, W), f32),
                  jax.ShapeDtypeStruct((E, W), f32)),
        scratch_types=[
            pltpu.VMEM((rt, _GR), jnp.int32),
            pltpu.VMEM((rt, _GR), jnp.int32),
            pltpu.VMEM((epm, W), f32),
            pltpu.VMEM((epm, W), f32),
            pltpu.SemaphoreType.DMA,
            pltpu.SemaphoreType.DMA,
        ],
        compiler_params=pltpu.CompilerParams(use_tc_tiling_on_sc=False),
    )
    def gather_k(ti_hbm, tj_hbm, ii_hbm, jj_hbm, gi_hbm, gj_hbm,
                 ii_v, jj_v, bufi, bufj, semg, semo):
        wid = lax.axis_index("s") * _NC + lax.axis_index("c")
        ebase = wid * ept
        pltpu.sync_copy(ii_hbm.at[wid], ii_v)
        pltpu.sync_copy(jj_hbm.at[wid], jj_v)

        @pl.loop(0, nmac)
        def _mac(m):
            @pl.when(m > 0)
            def _():
                pltpu.make_async_copy(bufi, gi_hbm.at[pl.ds(0, epm)], semo).wait()
                pltpu.make_async_copy(bufj, gj_hbm.at[pl.ds(0, epm)], semo).wait()
            descs = []
            for k in range(_CH):
                descs.append(pltpu.async_copy(
                    ti_hbm.at[ii_v.at[m * _CH + k]],
                    bufi.at[pl.ds(k * _GR, _GR)], semg))
                descs.append(pltpu.async_copy(
                    tj_hbm.at[jj_v.at[m * _CH + k]],
                    bufj.at[pl.ds(k * _GR, _GR)], semg))
            for dsc in descs:
                dsc.wait()
            pltpu.async_copy(bufi, gi_hbm.at[pl.ds(ebase + m * epm, epm)], semo)
            pltpu.async_copy(bufj, gj_hbm.at[pl.ds(ebase + m * epm, epm)], semo)

        pltpu.make_async_copy(bufi, gi_hbm.at[pl.ds(0, epm)], semo).wait()
        pltpu.make_async_copy(bufj, gj_hbm.at[pl.ds(0, epm)], semo).wait()

    return gather_k


def _make_scatter(E, N, D):
    rows = E // _GR
    rt = rows // _NW
    nmac = rt // _CH
    epm = _GR * _CH
    ept = E // _NW
    rps = N // _NS
    assert rps * _NS == N
    mesh = plsc.VectorSubcoreMesh(core_axis_name="c", subcore_axis_name="s",
                                  num_cores=_NC, num_subcores=_NS)
    f32 = jnp.float32

    @functools.partial(
        pl.kernel, mesh=mesh,
        out_type=jax.ShapeDtypeStruct((_NC, N, D), f32),
        scratch_types=[
            pltpu.VMEM((rt, _GR), jnp.int32),
            pltpu.VMEM((epm, D), f32),
            pltpu.VMEM_SHARED((N, D), f32),
            pltpu.SemaphoreType.DMA,
        ],
        compiler_params=pltpu.CompilerParams(use_tc_tiling_on_sc=False),
    )
    def scatter_k(msg_hbm, ii_hbm, zero_hbm, aggp_hbm, ii_v, mbuf, agg_sh, sem):
        cid = lax.axis_index("c")
        sid = lax.axis_index("s")
        wid = sid * _NC + cid
        @pl.when(sid == 0)
        def _():
            pltpu.sync_copy(zero_hbm, agg_sh)
        pltpu.sync_copy(ii_hbm.at[wid], ii_v)
        plsc.subcore_barrier()

        @pl.loop(0, nmac)
        def _mac(m):
            pltpu.sync_copy(msg_hbm.at[pl.ds(wid * ept + m * epm, epm)], mbuf)
            for k in range(_CH):
                pltpu.sync_copy(mbuf.at[pl.ds(k * _GR, _GR)],
                                agg_sh.at[ii_v.at[m * _CH + k]], add=True)

        plsc.subcore_barrier()

        @pl.when(sid == 0)
        def _():
            pltpu.sync_copy(agg_sh, aggp_hbm.at[cid])

    return scatter_k


def kernel(H, xyz, edge_index, edge_struct, edge_rest_lengths,
           We1, be1, We2, be2, Wg1, bg1, Wg2, bg2,
           Wn1, bn1, Wn2, bn2, ln_g, ln_b):
    B, N, d = H.shape
    E = edge_index.shape[1]
    d_edge = We2.shape[1]
    W = 80
    assert E % (_NW * _GR * _CH) == 0 and N % _NS == 0
    f32 = jnp.float32

    H2 = H[0]
    xyzp = jnp.pad(xyz[0], ((0, 0), (0, 13)))
    rt = E // _GR // _NW
    ii = edge_index[0].reshape(_NW, rt, _GR)
    jj = edge_index[1].reshape(_NW, rt, _GR)

    BN = 1000
    ti, tj = pl.pallas_call(
        _prep_body,
        grid=(N // BN,),
        in_specs=[
            pl.BlockSpec((BN, d), lambda i: (i, 0)),
            pl.BlockSpec((BN, 16), lambda i: (i, 0)),
            pl.BlockSpec((d, d_edge), lambda i: (0, 0)),
            pl.BlockSpec((d, d_edge), lambda i: (0, 0)),
        ],
        out_specs=[
            pl.BlockSpec((BN, W), lambda i: (i, 0)),
            pl.BlockSpec((BN, W), lambda i: (i, 0)),
        ],
        out_shape=[
            jax.ShapeDtypeStruct((N, W), f32),
            jax.ShapeDtypeStruct((N, W), f32),
        ],
    )(H2, xyzp, We1[:d], We1[d:2 * d])

    gi, gj = _make_gather(E, N, W)(ti, tj, ii, jj)

    BE = 2000
    e_msg = pl.pallas_call(
        _edge_body,
        grid=(E // BE,),
        in_specs=[
            pl.BlockSpec((BE, W), lambda i: (i, 0)),
            pl.BlockSpec((BE, W), lambda i: (i, 0)),
            pl.BlockSpec((BE, 8), lambda i: (i, 0)),
            pl.BlockSpec((BE, 1), lambda i: (i, 0)),
            pl.BlockSpec((2, d_edge), lambda i: (0, 0)),
            pl.BlockSpec((8, d_edge), lambda i: (0, 0)),
            pl.BlockSpec((1, d_edge), lambda i: (0, 0)),
            pl.BlockSpec((d_edge, d_edge), lambda i: (0, 0)),
            pl.BlockSpec((1, d_edge), lambda i: (0, 0)),
            pl.BlockSpec((2, 32), lambda i: (0, 0)),
            pl.BlockSpec((8, 32), lambda i: (0, 0)),
            pl.BlockSpec((1, 32), lambda i: (0, 0)),
            pl.BlockSpec((1, 32), lambda i: (0, 0)),
            pl.BlockSpec((1, 1), lambda i: (0, 0)),
        ],
        out_specs=pl.BlockSpec((BE, d_edge), lambda i: (i, 0)),
        out_shape=jax.ShapeDtypeStruct((E, d_edge), f32),
    )(gi, gj, edge_struct, edge_rest_lengths.reshape(E, 1),
      We1[2 * d:2 * d + 2], We1[2 * d + 2:2 * d + 10], be1.reshape(1, -1),
      We2, be2.reshape(1, -1),
      Wg1[0:2], Wg1[2:10], bg1.reshape(1, -1), Wg2.reshape(1, -1),
      bg2.reshape(1, 1))

    aggp = _make_scatter(E, N, d_edge)(e_msg, ii, jnp.zeros((N, d_edge), f32))

    dh = Wn1.shape[1]
    out = pl.pallas_call(
        _node_body,
        grid=(N // BN,),
        in_specs=[
            pl.BlockSpec((BN, d), lambda i: (i, 0)),
            pl.BlockSpec((BN, d_edge), lambda i: (i, 0)),
            pl.BlockSpec((BN, d_edge), lambda i: (i, 0)),
            pl.BlockSpec((d, dh), lambda i: (0, 0)),
            pl.BlockSpec((d_edge, dh), lambda i: (0, 0)),
            pl.BlockSpec((1, dh), lambda i: (0, 0)),
            pl.BlockSpec((dh, d), lambda i: (0, 0)),
            pl.BlockSpec((1, d), lambda i: (0, 0)),
            pl.BlockSpec((1, d), lambda i: (0, 0)),
            pl.BlockSpec((1, d), lambda i: (0, 0)),
        ],
        out_specs=pl.BlockSpec((BN, d), lambda i: (i, 0)),
        out_shape=jax.ShapeDtypeStruct((N, d), f32),
    )(H2, aggp[0], aggp[1], Wn1[:d], Wn1[d:], bn1.reshape(1, -1),
      Wn2, bn2.reshape(1, -1), ln_g.reshape(1, -1), ln_b.reshape(1, -1))

    return out.reshape(B, N, d)

# --- scband reference (transcript-rebuilt; emitter-appended) ---
"""Pipeline reference for scband-egnnlite-layer-12816182411328 (READ-ONLY COPY).

The authoritative reference and input builder live on the scoring server;
editing this copy changes nothing except your own understanding.
"""

import jax, jax.numpy as jnp
import numpy as np


def silu(x):
    return x * jax.nn.sigmoid(x)


def setup_inputs(seed: int = 0) -> dict:
    key = jax.random.key(seed)
    ks = jax.random.split(key, 16)
    B, N, E = 1, 10000, 320000
    d_model, d_edge, d_struct = 128, 64, 8
    H = jax.random.normal(ks[0], (B, N, d_model), dtype=jnp.float32)
    xyz = jax.random.normal(ks[1], (B, N, 3), dtype=jnp.float32)
    edge_index = jax.random.randint(ks[2], (2, E), 0, N, dtype=jnp.int32)
    edge_struct = jax.random.normal(ks[3], (E, d_struct), dtype=jnp.float32)
    edge_rest_lengths = jax.random.uniform(ks[4], (E,), dtype=jnp.float32)

    def lin(k, fin, fout):
        kw, kb = jax.random.split(k)
        W = jax.random.normal(kw, (fin, fout), dtype=jnp.float32) / np.sqrt(fin)
        b = jax.random.normal(kb, (fout,), dtype=jnp.float32) * 0.01
        return W, b

    We1, be1 = lin(ks[5], 2 * d_model + 1 + 1 + d_struct, d_edge)
    We2, be2 = lin(ks[6], d_edge, d_edge)
    Wg1, bg1 = lin(ks[7], 1 + 1 + d_struct, 32)
    Wg2, bg2 = lin(ks[8], 32, 1)
    Wn1, bn1 = lin(ks[9], d_model + d_edge, 2 * d_model)
    Wn2, bn2 = lin(ks[10], 2 * d_model, d_model)
    ln_g = jnp.ones((d_model,), dtype=jnp.float32)
    ln_b = jnp.zeros((d_model,), dtype=jnp.float32)
    return {"H": H, "xyz": xyz, "edge_index": edge_index, "edge_struct": edge_struct,
            "edge_rest_lengths": edge_rest_lengths,
            "We1": We1, "be1": be1, "We2": We2, "be2": be2,
            "Wg1": Wg1, "bg1": bg1, "Wg2": Wg2, "bg2": bg2,
            "Wn1": Wn1, "bn1": bn1, "Wn2": Wn2, "bn2": bn2,
            "ln_g": ln_g, "ln_b": ln_b}


def reference(H, xyz, edge_index, edge_struct, edge_rest_lengths,
              We1, be1, We2, be2, Wg1, bg1, Wg2, bg2,
              Wn1, bn1, Wn2, bn2, ln_g, ln_b):
    B, N, d = H.shape
    i = edge_index[0]
    j = edge_index[1]
    E = i.shape[0]
    Hi = H[:, i, :]
    Hj = H[:, j, :]
    diff = xyz[:, i, :] - xyz[:, j, :]
    dist2 = jnp.sum(diff ** 2, axis=-1, keepdims=True)
    dist = jnp.sqrt(dist2 + 1e-9)
    rest = edge_rest_lengths.reshape(1, -1, 1)
    delta = (dist - rest) / (rest + 1e-9)
    struct = jnp.broadcast_to(edge_struct[None, :, :], (B, E, edge_struct.shape[-1]))
    e_in = jnp.concatenate([Hi, Hj, dist2, delta, struct], axis=-1)
    e_msg = silu(silu(e_in @ We1 + be1) @ We2 + be2)
    g_in = jnp.concatenate([dist2, delta, struct], axis=-1)
    g = jax.nn.sigmoid(silu(g_in @ Wg1 + bg1) @ Wg2 + bg2)
    e_msg = e_msg * g
    agg = jnp.zeros((B, N, e_msg.shape[-1]), dtype=H.dtype).at[:, i, :].add(e_msg)
    node_in = jnp.concatenate([H, agg], axis=-1)
    out = silu(node_in @ Wn1 + bn1) @ Wn2 + bn2
    res = H + out
    mu = jnp.mean(res, axis=-1, keepdims=True)
    var = jnp.var(res, axis=-1, keepdims=True)
    return (res - mu) / jnp.sqrt(var + 1e-5) * ln_g + ln_b

if __name__ == "__main__":
    import jax
    _d = setup_inputs()
    print(jax.jit(kernel)(*tuple(_d.values())))

</pallas_src>

<mosaic_0001>
#map = affine_map<(d0, d1) -> (0, 0)>
#map1 = affine_map<(d0, d1) -> (0, 0, 0)>
module attributes {stable_mosaic.version = 14 : i64} {
  func.func @gather_k(%arg0: i32, %arg1: i32, %arg2: memref<10000x80xf32, #tpu.memory_space<hbm>>, %arg3: memref<10000x80xf32, #tpu.memory_space<hbm>>, %arg4: memref<32x125x80xi32, #tpu.memory_space<hbm>>, %arg5: memref<32x125x80xi32, #tpu.memory_space<hbm>>, %arg6: memref<320000x80xf32, #tpu.memory_space<hbm>>, %arg7: memref<320000x80xf32, #tpu.memory_space<hbm>>, %arg8: memref<125x80xi32, #tpu.memory_space<vmem>>, %arg9: memref<125x80xi32, #tpu.memory_space<vmem>>, %arg10: memref<400x80xf32, #tpu.memory_space<vmem>>, %arg11: memref<400x80xf32, #tpu.memory_space<vmem>>, %arg12: memref<!tpu.dma_semaphore, #tpu.memory_space<semaphore_mem>>, %arg13: memref<!tpu.dma_semaphore, #tpu.memory_space<semaphore_mem>>) attributes {dimension_semantics = [#tpu.dimension_semantics<core_parallel>, #tpu.dimension_semantics<subcore_parallel>], iteration_bounds = array<i64: 2, 16>, scalar_prefetch = 0 : i64, scratch_operands = 6 : i64, tpu.core_type = #tpu.core_type<sc_vector_subcore>, window_params = [{transform_indices = #map}, {transform_indices = #map}, {transform_indices = #map1}, {transform_indices = #map1}, {transform_indices = #map}, {transform_indices = #map}]} {
    %mul3A = arith.constant 2 : i32
    %mul3A_0 = arith.muli %arg1, %mul3A : i32
    %add3A = arith.addi %mul3A_0, %arg0 : i32
    %mul3A_1 = arith.constant 10000 : i32
    %mul3A_2 = arith.muli %add3A, %mul3A_1 : i32
    "tpu.region"() ({
      %run_scoped3A = tpu.sem_alloc : memref<!tpu.dma_semaphore, #tpu.memory_space<semaphore_mem>>
      %dma_start3A = arith.constant 0 : i32
      %dma_start3A_18 = arith.constant 0 : i32
      %dma_start3A_19 = tpu.memref_slice %arg4[%add3A, %dma_start3A, %dma_start3A_18] : memref<32x125x80xi32, #tpu.memory_space<hbm>> -> memref<1x125x80xi32, #tpu.memory_space<hbm>>
      %dma_start3A_20 = tpu.memref_squeeze %dma_start3A_19 : memref<1x125x80xi32, #tpu.memory_space<hbm>> -> memref<125x80xi32, #tpu.memory_space<hbm>>
      %dma_start3A_21 = arith.constant 0 : i32
      %dma_start3A_22 = arith.constant 0 : i32
      %dma_start3A_23 = tpu.memref_slice %arg4[%add3A, %dma_start3A_21, %dma_start3A_22] : memref<32x125x80xi32, #tpu.memory_space<hbm>> -> memref<1x125x80xi32, #tpu.memory_space<hbm>>
      %dma_start3A_24 = tpu.memref_squeeze %dma_start3A_23 : memref<1x125x80xi32, #tpu.memory_space<hbm>> -> memref<125x80xi32, #tpu.memory_space<hbm>>
      tpu.enqueue_dma source(%dma_start3A_24 : memref<125x80xi32, #tpu.memory_space<hbm>>) target(%arg8 : memref<125x80xi32, #tpu.memory_space<vmem>>) target_semaphore(%run_scoped3A : memref<!tpu.dma_semaphore, #tpu.memory_space<semaphore_mem>>)
      %dma_wait3A_25 = arith.constant 0 : i32
      %dma_wait3A_26 = arith.constant 0 : i32
      %dma_wait3A_27 = tpu.memref_slice %arg4[%add3A, %dma_wait3A_25, %dma_wait3A_26] : memref<32x125x80xi32, #tpu.memory_space<hbm>> -> memref<1x125x80xi32, #tpu.memory_space<hbm>>
      %dma_wait3A_28 = tpu.memref_squeeze %dma_wait3A_27 : memref<1x125x80xi32, #tpu.memory_space<hbm>> -> memref<125x80xi32, #tpu.memory_space<hbm>>
      %dma_wait3A_29 = arith.constant 0 : i32
      %dma_wait3A_30 = arith.constant 0 : i32
      %dma_wait3A_31 = tpu.memref_slice %arg4[%add3A, %dma_wait3A_29, %dma_wait3A_30] : memref<32x125x80xi32, #tpu.memory_space<hbm>> -> memref<1x125x80xi32, #tpu.memory_space<hbm>>
      %dma_wait3A_32 = tpu.memref_squeeze %dma_wait3A_31 : memref<1x125x80xi32, #tpu.memory_space<hbm>> -> memref<125x80xi32, #tpu.memory_space<hbm>>
      tpu.wait_dma2 semaphore(%run_scoped3A : memref<!tpu.dma_semaphore, #tpu.memory_space<semaphore_mem>>) src(%dma_wait3A_32 : memref<125x80xi32, #tpu.memory_space<hbm>>) dst(%arg8 : memref<125x80xi32, #tpu.memory_space<vmem>>)
      tpu.yield
    }) : () -> ()
    "tpu.region"() ({
      %run_scoped3A = tpu.sem_alloc : memref<!tpu.dma_semaphore, #tpu.memory_space<semaphore_mem>>
      %dma_start3A = arith.constant 0 : i32
      %dma_start3A_18 = arith.constant 0 : i32
      %dma_start3A_19 = tpu.memref_slice %arg5[%add3A, %dma_start3A, %dma_start3A_18] : memref<32x125x80xi32, #tpu.memory_space<hbm>> -> memref<1x125x80xi32, #tpu.memory_space<hbm>>
      %dma_start3A_20 = tpu.memref_squeeze %dma_start3A_19 : memref<1x125x80xi32, #tpu.memory_space<hbm>> -> memref<125x80xi32, #tpu.memory_space<hbm>>
      %dma_start3A_21 = arith.constant 0 : i32
      %dma_start3A_22 = arith.constant 0 : i32
      %dma_start3A_23 = tpu.memref_slice %arg5[%add3A, %dma_start3A_21, %dma_start3A_22] : memref<32x125x80xi32, #tpu.memory_space<hbm>> -> memref<1x125x80xi32, #tpu.memory_space<hbm>>
      %dma_start3A_24 = tpu.memref_squeeze %dma_start3A_23 : memref<1x125x80xi32, #tpu.memory_space<hbm>> -> memref<125x80xi32, #tpu.memory_space<hbm>>
      tpu.enqueue_dma source(%dma_start3A_24 : memref<125x80xi32, #tpu.memory_space<hbm>>) target(%arg9 : memref<125x80xi32, #tpu.memory_space<vmem>>) target_semaphore(%run_scoped3A : memref<!tpu.dma_semaphore, #tpu.memory_space<semaphore_mem>>)
      %dma_wait3A_25 = arith.constant 0 : i32
      %dma_wait3A_26 = arith.constant 0 : i32
      %dma_wait3A_27 = tpu.memref_slice %arg5[%add3A, %dma_wait3A_25, %dma_wait3A_26] : memref<32x125x80xi32, #tpu.memory_space<hbm>> -> memref<1x125x80xi32, #tpu.memory_space<hbm>>
      %dma_wait3A_28 = tpu.memref_squeeze %dma_wait3A_27 : memref<1x125x80xi32, #tpu.memory_space<hbm>> -> memref<125x80xi32, #tpu.memory_space<hbm>>
      %dma_wait3A_29 = arith.constant 0 : i32
      %dma_wait3A_30 = arith.constant 0 : i32
      %dma_wait3A_31 = tpu.memref_slice %arg5[%add3A, %dma_wait3A_29, %dma_wait3A_30] : memref<32x125x80xi32, #tpu.memory_space<hbm>> -> memref<1x125x80xi32, #tpu.memory_space<hbm>>
      %dma_wait3A_32 = tpu.memref_squeeze %dma_wait3A_31 : memref<1x125x80xi32, #tpu.memory_space<hbm>> -> memref<125x80xi32, #tpu.memory_space<hbm>>
      tpu.wait_dma2 semaphore(%run_scoped3A : memref<!tpu.dma_semaphore, #tpu.memory_space<semaphore_mem>>) src(%dma_wait3A_32 : memref<125x80xi32, #tpu.memory_space<hbm>>) dst(%arg9 : memref<125x80xi32, #tpu.memory_space<vmem>>)
      tpu.yield
    }) : () -> ()
    %scan3A = arith.constant 0 : i32
    %scan3A_3 = arith.constant 25 : i32
    %scan3A_4 = arith.addi %scan3A, %scan3A_3 : i32
    %scan3A_5 = arith.constant 1 : i32
    scf.for %scan3A_18 = %scan3A to %scan3A_4 step %scan3A_5  : i32 {
      %mul3A_19 = arith.constant 1 : i32
      %mul3A_20 = arith.muli %scan3A_18, %mul3A_19 : i32
      %add3A_21 = arith.constant 0 : i32
      %add3A_22 = arith.addi %add3A_21, %mul3A_20 : i32
      %gt3A = arith.constant 0 : i32
      %gt3A_23 = arith.cmpi sgt, %add3A_22, %gt3A : i32
      %convert_element_type3A = arith.extui %gt3A_23 : i1 to i32
      %cond3A = arith.constant 0 : i32
      %cond3A_24 = arith.cmpi ne, %convert_element_type3A, %cond3A : i32
      scf.if %cond3A_24 {
        %dma_wait3A_258 = arith.constant 0 : i32
        %dma_wait3A_259 = arith.constant 0 : i32
        %dma_wait3A_260 = tpu.memref_slice %arg6[%dma_wait3A_258, %dma_wait3A_259] : memref<320000x80xf32, #tpu.memory_space<hbm>> -> memref<400x80xf32, #tpu.memory_space<hbm>>
        %dma_wait3A_261 = arith.constant 0 : i32
        %dma_wait3A_262 = arith.constant 0 : i32
        %dma_wait3A_263 = tpu.memref_slice %arg6[%dma_wait3A_261, %dma_wait3A_262] : memref<320000x80xf32, #tpu.memory_space<hbm>> -> memref<400x80xf32, #tpu.memory_space<hbm>>
        tpu.wait_dma2 semaphore(%arg13 : memref<!tpu.dma_semaphore, #tpu.memory_space<semaphore_mem>>) src(%arg10 : memref<400x80xf32, #tpu.memory_space<vmem>>) dst(%dma_wait3A_263 : memref<400x80xf32, #tpu.memory_space<hbm>>)
        %dma_wait3A_264 = arith.constant 0 : i32
        %dma_wait3A_265 = arith.constant 0 : i32
        %dma_wait3A_266 = tpu.memref_slice %arg7[%dma_wait3A_264, %dma_wait3A_265] : memref<320000x80xf32, #tpu.memory_space<hbm>> -> memref<400x80xf32, #tpu.memory_space<hbm>>
        %dma_wait3A_267 = arith.constant 0 : i32
        %dma_wait3A_268 = arith.constant 0 : i32
        %dma_wait3A_269 = tpu.memref_slice %arg7[%dma_wait3A_267, %dma_wait3A_268] : memref<320000x80xf32, #tpu.memory_space<hbm>> -> memref<400x80xf32, #tpu.memory_space<hbm>>
        tpu.wait_dma2 semaphore(%arg13 : memref<!tpu.dma_semaphore, #tpu.memory_space<semaphore_mem>>) src(%arg11 : memref<400x80xf32, #tpu.memory_space<vmem>>) dst(%dma_wait3A_269 : memref<400x80xf32, #tpu.memory_space<hbm>>)
      } else {
      }
      %mul3A_25 = arith.constant 5 : i32
      %mul3A_26 = arith.muli %add3A_22, %mul3A_25 : i32
      %add3A_27 = arith.constant 0 : i32
      %add3A_28 = arith.addi %mul3A_26, %add3A_27 : i32
      %dma_start3A = arith.constant 0 : i32
      %dma_start3A_29 = arith.constant 0 : i32
      %dma_start3A_30 = tpu.memref_slice %arg10[%dma_start3A, %dma_start3A_29] : memref<400x80xf32, #tpu.memory_space<vmem>> -> memref<80x80xf32, #tpu.memory_space<vmem>>
      %dma_start3A_31 = arith.constant 0 : i32
      %dma_start3A_32 = tpu.memref_slice %arg8[%add3A_28, %dma_start3A_31] : memref<125x80xi32, #tpu.memory_space<vmem>> -> memref<1x80xi32, #tpu.memory_space<vmem>>
      %dma_start3A_33 = tpu.memref_squeeze %dma_start3A_32 : memref<1x80xi32, #tpu.memory_space<vmem>> -> memref<80xi32, #tpu.memory_space<vmem>>
      %dma_start3A_34 = arith.constant 0 : i32
      %dma_start3A_35 = arith.constant 0 : i32
      %dma_start3A_36 = tpu.memref_slice %arg2[%dma_start3A_34, %dma_start3A_35] : memref<10000x80xf32, #tpu.memory_space<hbm>> -> memref<10000x80xf32, #tpu.memory_space<hbm>>
      tpu.enqueue_indirect_dma source(%dma_start3A_36 : memref<10000x80xf32, #tpu.memory_space<hbm>>) target(%dma_start3A_30 : memref<80x80xf32, #tpu.memory_space<vmem>>) offsets(%dma_start3A_33 : memref<80xi32, #tpu.memory_space<vmem>>) semaphore(%arg12 : memref<!tpu.dma_semaphore, #tpu.memory_space<semaphore_mem>>)
      %mul3A_37 = arith.constant 5 : i32
      %mul3A_38 = arith.muli %add3A_22, %mul3A_37 : i32
      %add3A_39 = arith.constant 0 : i32
      %add3A_40 = arith.addi %mul3A_38, %add3A_39 : i32
      %dma_start3A_41 = arith.constant 0 : i32
      %dma_start3A_42 = arith.constant 0 : i32
      %dma_start3A_43 = tpu.memref_slice %arg11[%dma_start3A_41, %dma_start3A_42] : memref<400x80xf32, #tpu.memory_space<vmem>> -> memref<80x80xf32, #tpu.memory_space<vmem>>
      %dma_start3A_44 = arith.constant 0 : i32
      %dma_start3A_45 = tpu.memref_slice %arg9[%add3A_40, %dma_start3A_44] : memref<125x80xi32, #tpu.memory_space<vmem>> -> memref<1x80xi32, #tpu.memory_space<vmem>>
      %dma_start3A_46 = tpu.memref_squeeze %dma_start3A_45 : memref<1x80xi32, #tpu.memory_space<vmem>> -> memref<80xi32, #tpu.memory_space<vmem>>
      %dma_start3A_47 = arith.constant 0 : i32
      %dma_start3A_48 = arith.constant 0 : i32
      %dma_start3A_49 = tpu.memref_slice %arg3[%dma_start3A_47, %dma_start3A_48] : memref<10000x80xf32, #tpu.memory_space<hbm>> -> memref<10000x80xf32, #tpu.memory_space<hbm>>
      tpu.enqueue_indirect_dma source(%dma_start3A_49 : memref<10000x80xf32, #tpu.memory_space<hbm>>) target(%dma_start3A_43 : memref<80x80xf32, #tpu.memory_space<vmem>>) offsets(%dma_start3A_46 : memref<80xi32, #tpu.memory_space<vmem>>) semaphore(%arg12 : memref<!tpu.dma_semaphore, #tpu.memory_space<semaphore_mem>>)
      %mul3A_50 = arith.constant 5 : i32
      %mul3A_51 = arith.muli %add3A_22, %mul3A_50 : i32
      %add3A_52 = arith.constant 1 : i32
      %add3A_53 = arith.addi %mul3A_51, %add3A_52 : i32
      %dma_start3A_54 = arith.constant 80 : i32
      %dma_start3A_55 = arith.constant 0 : i32
      %dma_start3A_56 = tpu.memref_slice %arg10[%dma_start3A_54, %dma_start3A_55] : memref<400x80xf32, #tpu.memory_space<vmem>> -> memref<80x80xf32, #tpu.memory_space<vmem>>
      %dma_start3A_57 = arith.constant 0 : i32
      %dma_start3A_58 = tpu.memref_slice %arg8[%add3A_53, %dma_start3A_57] : memref<125x80xi32, #tpu.memory_space<vmem>> -> memref<1x80xi32, #tpu.memory_space<vmem>>
      %dma_start3A_59 = tpu.memref_squeeze %dma_start3A_58 : memref<1x80xi32, #tpu.memory_space<vmem>> -> memref<80xi32, #tpu.memory_space<vmem>>
      %dma_start3A_60 = arith.constant 0 : i32
      %dma_start3A_61 = arith.constant 0 : i32
      %dma_start3A_62 = tpu.memref_slice %arg2[%dma_start3A_60, %dma_start3A_61] : memref<10000x80xf32, #tpu.memory_space<hbm>> -> memref<10000x80xf32, #tpu.memory_space<hbm>>
      tpu.enqueue_indirect_dma source(%dma_start3A_62 : memref<10000x80xf32, #tpu.memory_space<hbm>>) target(%dma_start3A_56 : memref<80x80xf32, #tpu.memory_space<vmem>>) offsets(%dma_start3A_59 : memref<80xi32, #tpu.memory_space<vmem>>) semaphore(%arg12 : memref<!tpu.dma_semaphore, #tpu.memory_space<semaphore_mem>>)
      %mul3A_63 = arith.constant 5 : i32
      %mul3A_64 = arith.muli %add3A_22, %mul3A_63 : i32
      %add3A_65 = arith.constant 1 : i32
      %add3A_66 = arith.addi %mul3A_64, %add3A_65 : i32
      %dma_start3A_67 = arith.constant 80 : i32
      %dma_start3A_68 = arith.constant 0 : i32
      %dma_start3A_69 = tpu.memref_slice %arg11[%dma_start3A_67, %dma_start3A_68] : memref<400x80xf32, #tpu.memory_space<vmem>> -> memref<80x80xf32, #tpu.memory_space<vmem>>
      %dma_start3A_70 = arith.constant 0 : i32
      %dma_start3A_71 = tpu.memref_slice %arg9[%add3A_66, %dma_start3A_70] : memref<125x80xi32, #tpu.memory_space<vmem>> -> memref<1x80xi32, #tpu.memory_space<vmem>>
      %dma_start3A_72 = tpu.memref_squeeze %dma_start3A_71 : memref<1x80xi32, #tpu.memory_space<vmem>> -> memref<80xi32, #tpu.memory_space<vmem>>
      %dma_start3A_73 = arith.constant 0 : i32
      %dma_start3A_74 = arith.constant 0 : i32
      %dma_start3A_75 = tpu.memref_slice %arg3[%dma_start3A_73, %dma_start3A_74] : memref<10000x80xf32, #tpu.memory_space<hbm>> -> memref<10000x80xf32, #tpu.memory_space<hbm>>
      tpu.enqueue_indirect_dma source(%dma_start3A_75 : memref<10000x80xf32, #tpu.memory_space<hbm>>) target(%dma_start3A_69 : memref<80x80xf32, #tpu.memory_space<vmem>>) offsets(%dma_start3A_72 : memref<80xi32, #tpu.memory_space<vmem>>) semaphore(%arg12 : memref<!tpu.dma_semaphore, #tpu.memory_space<semaphore_mem>>)
      %mul3A_76 = arith.constant 5 : i32
      %mul3A_77 = arith.muli %add3A_22, %mul3A_76 : i32
      %add3A_78 = arith.constant 2 : i32
      %add3A_79 = arith.addi %mul3A_77, %add3A_78 : i32
      %dma_start3A_80 = arith.constant 160 : i32
      %dma_start3A_81 = arith.constant 0 : i32
      %dma_start3A_82 = tpu.memref_slice %arg10[%dma_start3A_80, %dma_start3A_81] : memref<400x80xf32, #tpu.memory_space<vmem>> -> memref<80x80xf32, #tpu.memory_space<vmem>>
      %dma_start3A_83 = arith.constant 0 : i32
      %dma_start3A_84 = tpu.memref_slice %arg8[%add3A_79, %dma_start3A_83] : memref<125x80xi32, #tpu.memory_space<vmem>> -> memref<1x80xi32, #tpu.memory_space<vmem>>
      %dma_start3A_85 = tpu.memref_squeeze %dma_start3A_84 : memref<1x80xi32, #tpu.memory_space<vmem>> -> memref<80xi32, #tpu.memory_space<vmem>>
      %dma_start3A_86 = arith.constant 0 : i32
      %dma_start3A_87 = arith.constant 0 : i32
      %dma_start3A_88 = tpu.memref_slice %arg2[%dma_start3A_86, %dma_start3A_87] : memref<10000x80xf32, #tpu.memory_space<hbm>> -> memref<10000x80xf32, #tpu.memory_space<hbm>>
      tpu.enqueue_indirect_dma source(%dma_start3A_88 : memref<10000x80xf32, #tpu.memory_space<hbm>>) target(%dma_start3A_82 : memref<80x80xf32, #tpu.memory_space<vmem>>) offsets(%dma_start3A_85 : memref<80xi32, #tpu.memory_space<vmem>>) semaphore(%arg12 : memref<!tpu.dma_semaphore, #tpu.memory_space<semaphore_mem>>)
      %mul3A_89 = arith.constant 5 : i32
      %mul3A_90 = arith.muli %add3A_22, %mul3A_89 : i32
      %add3A_91 = arith.constant 2 : i32
      %add3A_92 = arith.addi %mul3A_90, %add3A_91 : i32
      %dma_start3A_93 = arith.constant 160 : i32
      %dma_start3A_94 = arith.constant 0 : i32
      %dma_start3A_95 = tpu.memref_slice %arg11[%dma_start3A_93, %dma_start3A_94] : memref<400x80xf32, #tpu.memory_space<vmem>> -> memref<80x80xf32, #tpu.memory_space<vmem>>
      %dma_start3A_96 = arith.constant 0 : i32
      %dma_start3A_97 = tpu.memref_slice %arg9[%add3A_92, %dma_start3A_96] : memref<125x80xi32, #tpu.memory_space<vmem>> -> memref<1x80xi32, #tpu.memory_space<vmem>>
      %dma_start3A_98 = tpu.memref_squeeze %dma_start3A_97 : memref<1x80xi32, #tpu.memory_space<vmem>> -> memref<80xi32, #tpu.memory_space<vmem>>
      %dma_start3A_99 = arith.constant 0 : i32
      %dma_start3A_100 = arith.constant 0 : i32
      %dma_start3A_101 = tpu.memref_slice %arg3[%dma_start3A_99, %dma_start3A_100] : memref<10000x80xf32, #tpu.memory_space<hbm>> -> memref<10000x80xf32, #tpu.memory_space<hbm>>
      tpu.enqueue_indirect_dma source(%dma_start3A_101 : memref<10000x80xf32, #tpu.memory_space<hbm>>) target(%dma_start3A_95 : memref<80x80xf32, #tpu.memory_space<vmem>>) offsets(%dma_start3A_98 : memref<80xi32, #tpu.memory_space<vmem>>) semaphore(%arg12 : memref<!tpu.dma_semaphore, #tpu.memory_space<semaphore_mem>>)
      %mul3A_102 = arith.constant 5 : i32
      %mul3A_103 = arith.muli %add3A_22, %mul3A_102 : i32
      %add3A_104 = arith.constant 3 : i32
      %add3A_105 = arith.addi %mul3A_103, %add3A_104 : i32
      %dma_start3A_106 = arith.constant 240 : i32
      %dma_start3A_107 = arith.constant 0 : i32
      %dma_start3A_108 = tpu.memref_slice %arg10[%dma_start3A_106, %dma_start3A_107] : memref<400x80xf32, #tpu.memory_space<vmem>> -> memref<80x80xf32, #tpu.memory_space<vmem>>
      %dma_start3A_109 = arith.constant 0 : i32
      %dma_start3A_110 = tpu.memref_slice %arg8[%add3A_105, %dma_start3A_109] : memref<125x80xi32, #tpu.memory_space<vmem>> -> memref<1x80xi32, #tpu.memory_space<vmem>>
      %dma_start3A_111 = tpu.memref_squeeze %dma_start3A_110 : memref<1x80xi32, #tpu.memory_space<vmem>> -> memref<80xi32, #tpu.memory_space<vmem>>
      %dma_start3A_112 = arith.constant 0 : i32
      %dma_start3A_113 = arith.constant 0 : i32
      %dma_start3A_114 = tpu.memref_slice %arg2[%dma_start3A_112, %dma_start3A_113] : memref<10000x80xf32, #tpu.memory_space<hbm>> -> memref<10000x80xf32, #tpu.memory_space<hbm>>
      tpu.enqueue_indirect_dma source(%dma_start3A_114 : memref<10000x80xf32, #tpu.memory_space<hbm>>) target(%dma_start3A_108 : memref<80x80xf32, #tpu.memory_space<vmem>>) offsets(%dma_start3A_111 : memref<80xi32, #tpu.memory_space<vmem>>) semaphore(%arg12 : memref<!tpu.dma_semaphore, #tpu.memory_space<semaphore_mem>>)
      %mul3A_115 = arith.constant 5 : i32
      %mul3A_116 = arith.muli %add3A_22, %mul3A_115 : i32
      %add3A_117 = arith.constant 3 : i32
      %add3A_118 = arith.addi %mul3A_116, %add3A_117 : i32
      %dma_start3A_119 = arith.constant 240 : i32
      %dma_start3A_120 = arith.constant 0 : i32
      %dma_start3A_121 = tpu.memref_slice %arg11[%dma_start3A_119, %dma_start3A_120] : memref<400x80xf32, #tpu.memory_space<vmem>> -> memref<80x80xf32, #tpu.memory_space<vmem>>
      %dma_start3A_122 = arith.constant 0 : i32
      %dma_start3A_123 = tpu.memref_slice %arg9[%add3A_118, %dma_start3A_122] : memref<125x80xi32, #tpu.memory_space<vmem>> -> memref<1x80xi32, #tpu.memory_space<vmem>>
      %dma_start3A_124 = tpu.memref_squeeze %dma_start3A_123 : memref<1x80xi32, #tpu.memory_space<vmem>> -> memref<80xi32, #tpu.memory_space<vmem>>
      %dma_start3A_125 = arith.constant 0 : i32
      %dma_start3A_126 = arith.constant 0 : i32
      %dma_start3A_127 = tpu.memref_slice %arg3[%dma_start3A_125, %dma_start3A_126] : memref<10000x80xf32, #tpu.memory_space<hbm>> -> memref<10000x80xf32, #tpu.memory_space<hbm>>
      tpu.enqueue_indirect_dma source(%dma_start3A_127 : memref<10000x80xf32, #tpu.memory_space<hbm>>) target(%dma_start3A_121 : memref<80x80xf32, #tpu.memory_space<vmem>>) offsets(%dma_start3A_124 : memref<80xi32, #tpu.memory_space<vmem>>) semaphore(%arg12 : memref<!tpu.dma_semaphore, #tpu.memory_space<semaphore_mem>>)
      %mul3A_128 = arith.constant 5 : i32
      %mul3A_129 = arith.muli %add3A_22, %mul3A_128 : i32
      %add3A_130 = arith.constant 4 : i32
      %add3A_131 = arith.addi %mul3A_129, %add3A_130 : i32
      %dma_start3A_132 = arith.constant 320 : i32
      %dma_start3A_133 = arith.constant 0 : i32
      %dma_start3A_134 = tpu.memref_slice %arg10[%dma_start3A_132, %dma_start3A_133] : memref<400x80xf32, #tpu.memory_space<vmem>> -> memref<80x80xf32, #tpu.memory_space<vmem>>
      %dma_start3A_135 = arith.constant 0 : i32
      %dma_start3A_136 = tpu.memref_slice %arg8[%add3A_131, %dma_start3A_135] : memref<125x80xi32, #tpu.memory_space<vmem>> -> memref<1x80xi32, #tpu.memory_space<vmem>>
      %dma_start3A_137 = tpu.memref_squeeze %dma_start3A_136 : memref<1x80xi32, #tpu.memory_space<vmem>> -> memref<80xi32, #tpu.memory_space<vmem>>
      %dma_start3A_138 = arith.constant 0 : i32
      %dma_start3A_139 = arith.constant 0 : i32
      %dma_start3A_140 = tpu.memref_slice %arg2[%dma_start3A_138, %dma_start3A_139] : memref<10000x80xf32, #tpu.memory_space<hbm>> -> memref<10000x80xf32, #tpu.memory_space<hbm>>
      tpu.enqueue_indirect_dma source(%dma_start3A_140 : memref<10000x80xf32, #tpu.memory_space<hbm>>) target(%dma_start3A_134 : memref<80x80xf32, #tpu.memory_space<vmem>>) offsets(%dma_start3A_137 : memref<80xi32, #tpu.memory_space<vmem>>) semaphore(%arg12 : memref<!tpu.dma_semaphore, #tpu.memory_space<semaphore_mem>>)
      %mul3A_141 = arith.constant 5 : i32
      %mul3A_142 = arith.muli %add3A_22, %mul3A_141 : i32
      %add3A_143 = arith.constant 4 : i32
      %add3A_144 = arith.addi %mul3A_142, %add3A_143 : i32
      %dma_start3A_145 = arith.constant 320 : i32
      %dma_start3A_146 = arith.constant 0 : i32
      %dma_start3A_147 = tpu.memref_slice %arg11[%dma_start3A_145, %dma_start3A_146] : memref<400x80xf32, #tpu.memory_space<vmem>> -> memref<80x80xf32, #tpu.memory_space<vmem>>
      %dma_start3A_148 = arith.constant 0 : i32
      %dma_start3A_149 = tpu.memref_slice %arg9[%add3A_144, %dma_start3A_148] : memref<125x80xi32, #tpu.memory_space<vmem>> -> memref<1x80xi32, #tpu.memory_space<vmem>>
      %dma_start3A_150 = tpu.memref_squeeze %dma_start3A_149 : memref<1x80xi32, #tpu.memory_space<vmem>> -> memref<80xi32, #tpu.memory_space<vmem>>
      %dma_start3A_151 = arith.constant 0 : i32
      %dma_start3A_152 = arith.constant 0 : i32
      %dma_start3A_153 = tpu.memref_slice %arg3[%dma_start3A_151, %dma_start3A_152] : memref<10000x80xf32, #tpu.memory_space<hbm>> -> memref<10000x80xf32, #tpu.memory_space<hbm>>
      tpu.enqueue_indirect_dma source(%dma_start3A_153 : memref<10000x80xf32, #tpu.memory_space<hbm>>) target(%dma_start3A_147 : memref<80x80xf32, #tpu.memory_space<vmem>>) offsets(%dma_start3A_150 : memref<80xi32, #tpu.memory_space<vmem>>) semaphore(%arg12 : memref<!tpu.dma_semaphore, #tpu.memory_space<semaphore_mem>>)
      %dma_wait3A_154 = arith.constant 0 : i32
      %dma_wait3A_155 = arith.constant 0 : i32
      %dma_wait3A_156 = tpu.memref_slice %arg10[%dma_wait3A_154, %dma_wait3A_155] : memref<400x80xf32, #tpu.memory_space<vmem>> -> memref<80x80xf32, #tpu.memory_space<vmem>>
      %dma_wait3A_157 = arith.constant 0 : i32
      %dma_wait3A_158 = tpu.memref_slice %arg8[%add3A_28, %dma_wait3A_157] : memref<125x80xi32, #tpu.memory_space<vmem>> -> memref<1x80xi32, #tpu.memory_space<vmem>>
      %dma_wait3A_159 = tpu.memref_squeeze %dma_wait3A_158 : memref<1x80xi32, #tpu.memory_space<vmem>> -> memref<80xi32, #tpu.memory_space<vmem>>
      %dma_wait3A_160 = arith.constant 0 : i32
      %dma_wait3A_161 = arith.constant 0 : i32
      %dma_wait3A_162 = tpu.memref_slice %arg2[%dma_wait3A_160, %dma_wait3A_161] : memref<10000x80xf32, #tpu.memory_space<hbm>> -> memref<10000x80xf32, #tpu.memory_space<hbm>>
      tpu.wait_indirect_dma semaphore(%arg12 : memref<!tpu.dma_semaphore, #tpu.memory_space<semaphore_mem>>) src(%dma_wait3A_162 : memref<10000x80xf32, #tpu.memory_space<hbm>>) dst(%dma_wait3A_156 : memref<80x80xf32, #tpu.memory_space<vmem>>)
      %dma_wait3A_163 = arith.constant 0 : i32
      %dma_wait3A_164 = arith.constant 0 : i32
      %dma_wait3A_165 = tpu.memref_slice %arg11[%dma_wait3A_163, %dma_wait3A_164] : memref<400x80xf32, #tpu.memory_space<vmem>> -> memref<80x80xf32, #tpu.memory_space<vmem>>
      %dma_wait3A_166 = arith.constant 0 : i32
      %dma_wait3A_167 = tpu.memref_slice %arg9[%add3A_40, %dma_wait3A_166] : memref<125x80xi32, #tpu.memory_space<vmem>> -> memref<1x80xi32, #tpu.memory_space<vmem>>
      %dma_wait3A_168 = tpu.memref_squeeze %dma_wait3A_167 : memref<1x80xi32, #tpu.memory_space<vmem>> -> memref<80xi32, #tpu.memory_space<vmem>>
      %dma_wait3A_169 = arith.constant 0 : i32
      %dma_wait3A_170 = arith.constant 0 : i32
      %dma_wait3A_171 = tpu.memref_slice %arg3[%dma_wait3A_169, %dma_wait3A_170] : memref<10000x80xf32, #tpu.memory_space<hbm>> -> memref<10000x80xf32, #tpu.memory_space<hbm>>
      tpu.wait_indirect_dma semaphore(%arg12 : memref<!tpu.dma_semaphore, #tpu.memory_space<semaphore_mem>>) src(%dma_wait3A_171 : memref<10000x80xf32, #tpu.memory_space<hbm>>) dst(%dma_wait3A_165 : memref<80x80xf32, #tpu.memory_space<vmem>>)
      %dma_wait3A_172 = arith.constant 80 : i32
      %dma_wait3A_173 = arith.constant 0 : i32
      %dma_wait3A_174 = tpu.memref_slice %arg10[%dma_wait3A_172, %dma_wait3A_173] : memref<400x80xf32, #tpu.memory_space<vmem>> -> memref<80x80xf32, #tpu.memory_space<vmem>>
      %dma_wait3A_175 = arith.constant 0 : i32
      %dma_wait3A_176 = tpu.memref_slice %arg8[%add3A_53, %dma_wait3A_175] : memref<125x80xi32, #tpu.memory_space<vmem>> -> memref<1x80xi32, #tpu.memory_space<vmem>>
      %dma_wait3A_177 = tpu.memref_squeeze %dma_wait3A_176 : memref<1x80xi32, #tpu.memory_space<vmem>> -> memref<80xi32, #tpu.memory_space<vmem>>
      %dma_wait3A_178 = arith.constant 0 : i32
      %dma_wait3A_179 = arith.constant 0 : i32
      %dma_wait3A_180 = tpu.memref_slice %arg2[%dma_wait3A_178, %dma_wait3A_179] : memref<10000x80xf32, #tpu.memory_space<hbm>> -> memref<10000x80xf32, #tpu.memory_space<hbm>>
      tpu.wait_indirect_dma semaphore(%arg12 : memref<!tpu.dma_semaphore, #tpu.memory_space<semaphore_mem>>) src(%dma_wait3A_180 : memref<10000x80xf32, #tpu.memory_space<hbm>>) dst(%dma_wait3A_174 : memref<80x80xf32, #tpu.memory_space<vmem>>)
      %dma_wait3A_181 = arith.constant 80 : i32
      %dma_wait3A_182 = arith.constant 0 : i32
      %dma_wait3A_183 = tpu.memref_slice %arg11[%dma_wait3A_181, %dma_wait3A_182] : memref<400x80xf32, #tpu.memory_space<vmem>> -> memref<80x80xf32, #tpu.memory_space<vmem>>
      %dma_wait3A_184 = arith.constant 0 : i32
      %dma_wait3A_185 = tpu.memref_slice %arg9[%add3A_66, %dma_wait3A_184] : memref<125x80xi32, #tpu.memory_space<vmem>> -> memref<1x80xi32, #tpu.memory_space<vmem>>
      %dma_wait3A_186 = tpu.memref_squeeze %dma_wait3A_185 : memref<1x80xi32, #tpu.memory_space<vmem>> -> memref<80xi32, #tpu.memory_space<vmem>>
      %dma_wait3A_187 = arith.constant 0 : i32
      %dma_wait3A_188 = arith.constant 0 : i32
      %dma_wait3A_189 = tpu.memref_slice %arg3[%dma_wait3A_187, %dma_wait3A_188] : memref<10000x80xf32, #tpu.memory_space<hbm>> -> memref<10000x80xf32, #tpu.memory_space<hbm>>
      tpu.wait_indirect_dma semaphore(%arg12 : memref<!tpu.dma_semaphore, #tpu.memory_space<semaphore_mem>>) src(%dma_wait3A_189 : memref<10000x80xf32, #tpu.memory_space<hbm>>) dst(%dma_wait3A_183 : memref<80x80xf32, #tpu.memory_space<vmem>>)
      %dma_wait3A_190 = arith.constant 160 : i32
      %dma_wait3A_191 = arith.constant 0 : i32
      %dma_wait3A_192 = tpu.memref_slice %arg10[%dma_wait3A_190, %dma_wait3A_191] : memref<400x80xf32, #tpu.memory_space<vmem>> -> memref<80x80xf32, #tpu.memory_space<vmem>>
      %dma_wait3A_193 = arith.constant 0 : i32
      %dma_wait3A_194 = tpu.memref_slice %arg8[%add3A_79, %dma_wait3A_193] : memref<125x80xi32, #tpu.memory_space<vmem>> -> memref<1x80xi32, #tpu.memory_space<vmem>>
      %dma_wait3A_195 = tpu.memref_squeeze %dma_wait3A_194 : memref<1x80xi32, #tpu.memory_space<vmem>> -> memref<80xi32, #tpu.memory_space<vmem>>
      %dma_wait3A_196 = arith.constant 0 : i32
      %dma_wait3A_197 = arith.constant 0 : i32
      %dma_wait3A_198 = tpu.memref_slice %arg2[%dma_wait3A_196, %dma_wait3A_197] : memref<10000x80xf32, #tpu.memory_space<hbm>> -> memref<10000x80xf32, #tpu.memory_space<hbm>>
      tpu.wait_indirect_dma semaphore(%arg12 : memref<!tpu.dma_semaphore, #tpu.memory_space<semaphore_mem>>) src(%dma_wait3A_198 : memref<10000x80xf32, #tpu.memory_space<hbm>>) dst(%dma_wait3A_192 : memref<80x80xf32, #tpu.memory_space<vmem>>)
      %dma_wait3A_199 = arith.constant 160 : i32
      %dma_wait3A_200 = arith.constant 0 : i32
      %dma_wait3A_201 = tpu.memref_slice %arg11[%dma_wait3A_199, %dma_wait3A_200] : memref<400x80xf32, #tpu.memory_space<vmem>> -> memref<80x80xf32, #tpu.memory_space<vmem>>
      %dma_wait3A_202 = arith.constant 0 : i32
      %dma_wait3A_203 = tpu.memref_slice %arg9[%add3A_92, %dma_wait3A_202] : memref<125x80xi32, #tpu.memory_space<vmem>> -> memref<1x80xi32, #tpu.memory_space<vmem>>
      %dma_wait3A_204 = tpu.memref_squeeze %dma_wait3A_203 : memref<1x80xi32, #tpu.memory_space<vmem>> -> memref<80xi32, #tpu.memory_space<vmem>>
      %dma_wait3A_205 = arith.constant 0 : i32
      %dma_wait3A_206 = arith.constant 0 : i32
      %dma_wait3A_207 = tpu.memref_slice %arg3[%dma_wait3A_205, %dma_wait3A_206] : memref<10000x80xf32, #tpu.memory_space<hbm>> -> memref<10000x80xf32, #tpu.memory_space<hbm>>
      tpu.wait_indirect_dma semaphore(%arg12 : memref<!tpu.dma_semaphore, #tpu.memory_space<semaphore_mem>>) src(%dma_wait3A_207 : memref<10000x80xf32, #tpu.memory_space<hbm>>) dst(%dma_wait3A_201 : memref<80x80xf32, #tpu.memory_space<vmem>>)
      %dma_wait3A_208 = arith.constant 240 : i32
      %dma_wait3A_209 = arith.constant 0 : i32
      %dma_wait3A_210 = tpu.memref_slice %arg10[%dma_wait3A_208, %dma_wait3A_209] : memref<400x80xf32, #tpu.memory_space<vmem>> -> memref<80x80xf32, #tpu.memory_space<vmem>>
      %dma_wait3A_211 = arith.constant 0 : i32
      %dma_wait3A_212 = tpu.memref_slice %arg8[%add3A_105, %dma_wait3A_211] : memref<125x80xi32, #tpu.memory_space<vmem>> -> memref<1x80xi32, #tpu.memory_space<vmem>>
      %dma_wait3A_213 = tpu.memref_squeeze %dma_wait3A_212 : memref<1x80xi32, #tpu.memory_space<vmem>> -> memref<80xi32, #tpu.memory_space<vmem>>
      %dma_wait3A_214 = arith.constant 0 : i32
      %dma_wait3A_215 = arith.constant 0 : i32
      %dma_wait3A_216 = tpu.memref_slice %arg2[%dma_wait3A_214, %dma_wait3A_215] : memref<10000x80xf32, #tpu.memory_space<hbm>> -> memref<10000x80xf32, #tpu.memory_space<hbm>>
      tpu.wait_indirect_dma semaphore(%arg12 : memref<!tpu.dma_semaphore, #tpu.memory_space<semaphore_mem>>) src(%dma_wait3A_216 : memref<10000x80xf32, #tpu.memory_space<hbm>>) dst(%dma_wait3A_210 : memref<80x80xf32, #tpu.memory_space<vmem>>)
      %dma_wait3A_217 = arith.constant 240 : i32
      %dma_wait3A_218 = arith.constant 0 : i32
      %dma_wait3A_219 = tpu.memref_slice %arg11[%dma_wait3A_217, %dma_wait3A_218] : memref<400x80xf32, #tpu.memory_space<vmem>> -> memref<80x80xf32, #tpu.memory_space<vmem>>
      %dma_wait3A_220 = arith.constant 0 : i32
      %dma_wait3A_221 = tpu.memref_slice %arg9[%add3A_118, %dma_wait3A_220] : memref<125x80xi32, #tpu.memory_space<vmem>> -> memref<1x80xi32, #tpu.memory_space<vmem>>
      %dma_wait3A_222 = tpu.memref_squeeze %dma_wait3A_221 : memref<1x80xi32, #tpu.memory_space<vmem>> -> memref<80xi32, #tpu.memory_space<vmem>>
      %dma_wait3A_223 = arith.constant 0 : i32
      %dma_wait3A_224 = arith.constant 0 : i32
      %dma_wait3A_225 = tpu.memref_slice %arg3[%dma_wait3A_223, %dma_wait3A_224] : memref<10000x80xf32, #tpu.memory_space<hbm>> -> memref<10000x80xf32, #tpu.memory_space<hbm>>
      tpu.wait_indirect_dma semaphore(%arg12 : memref<!tpu.dma_semaphore, #tpu.memory_space<semaphore_mem>>) src(%dma_wait3A_225 : memref<10000x80xf32, #tpu.memory_space<hbm>>) dst(%dma_wait3A_219 : memref<80x80xf32, #tpu.memory_space<vmem>>)
      %dma_wait3A_226 = arith.constant 320 : i32
      %dma_wait3A_227 = arith.constant 0 : i32
      %dma_wait3A_228 = tpu.memref_slice %arg10[%dma_wait3A_226, %dma_wait3A_227] : memref<400x80xf32, #tpu.memory_space<vmem>> -> memref<80x80xf32, #tpu.memory_space<vmem>>
      %dma_wait3A_229 = arith.constant 0 : i32
      %dma_wait3A_230 = tpu.memref_slice %arg8[%add3A_131, %dma_wait3A_229] : memref<125x80xi32, #tpu.memory_space<vmem>> -> memref<1x80xi32, #tpu.memory_space<vmem>>
      %dma_wait3A_231 = tpu.memref_squeeze %dma_wait3A_230 : memref<1x80xi32, #tpu.memory_space<vmem>> -> memref<80xi32, #tpu.memory_space<vmem>>
      %dma_wait3A_232 = arith.constant 0 : i32
      %dma_wait3A_233 = arith.constant 0 : i32
      %dma_wait3A_234 = tpu.memref_slice %arg2[%dma_wait3A_232, %dma_wait3A_233] : memref<10000x80xf32, #tpu.memory_space<hbm>> -> memref<10000x80xf32, #tpu.memory_space<hbm>>
      tpu.wait_indirect_dma semaphore(%arg12 : memref<!tpu.dma_semaphore, #tpu.memory_space<semaphore_mem>>) src(%dma_wait3A_234 : memref<10000x80xf32, #tpu.memory_space<hbm>>) dst(%dma_wait3A_228 : memref<80x80xf32, #tpu.memory_space<vmem>>)
      %dma_wait3A_235 = arith.constant 320 : i32
      %dma_wait3A_236 = arith.constant 0 : i32
      %dma_wait3A_237 = tpu.memref_slice %arg11[%dma_wait3A_235, %dma_wait3A_236] : memref<400x80xf32, #tpu.memory_space<vmem>> -> memref<80x80xf32, #tpu.memory_space<vmem>>
      %dma_wait3A_238 = arith.constant 0 : i32
      %dma_wait3A_239 = tpu.memref_slice %arg9[%add3A_144, %dma_wait3A_238] : memref<125x80xi32, #tpu.memory_space<vmem>> -> memref<1x80xi32, #tpu.memory_space<vmem>>
      %dma_wait3A_240 = tpu.memref_squeeze %dma_wait3A_239 : memref<1x80xi32, #tpu.memory_space<vmem>> -> memref<80xi32, #tpu.memory_space<vmem>>
      %dma_wait3A_241 = arith.constant 0 : i32
      %dma_wait3A_242 = arith.constant 0 : i32
      %dma_wait3A_243 = tpu.memref_slice %arg3[%dma_wait3A_241, %dma_wait3A_242] : memref<10000x80xf32, #tpu.memory_space<hbm>> -> memref<10000x80xf32, #tpu.memory_space<hbm>>
      tpu.wait_indirect_dma semaphore(%arg12 : memref<!tpu.dma_semaphore, #tpu.memory_space<semaphore_mem>>) src(%dma_wait3A_243 : memref<10000x80xf32, #tpu.memory_space<hbm>>) dst(%dma_wait3A_237 : memref<80x80xf32, #tpu.memory_space<vmem>>)
      %mul3A_244 = arith.constant 400 : i32
      %mul3A_245 = arith.muli %add3A_22, %mul3A_244 : i32
      %add3A_246 = arith.addi %mul3A_2, %mul3A_245 : i32
      %dma_start3A_247 = arith.constant 0 : i32
      %dma_start3A_248 = tpu.memref_slice %arg6[%add3A_246, %dma_start3A_247] : memref<320000x80xf32, #tpu.memory_space<hbm>> -> memref<400x80xf32, #tpu.memory_space<hbm>>
      %dma_start3A_249 = arith.constant 0 : i32
      %dma_start3A_250 = tpu.memref_slice %arg6[%add3A_246, %dma_start3A_249] : memref<320000x80xf32, #tpu.memory_space<hbm>> -> memref<400x80xf32, #tpu.memory_space<hbm>>
      tpu.enqueue_dma source(%arg10 : memref<400x80xf32, #tpu.memory_space<vmem>>) target(%dma_start3A_250 : memref<400x80xf32, #tpu.memory_space<hbm>>) target_semaphore(%arg13 : memref<!tpu.dma_semaphore, #tpu.memory_space<semaphore_mem>>)
      %mul3A_251 = arith.constant 400 : i32
      %mul3A_252 = arith.muli %add3A_22, %mul3A_251 : i32
      %add3A_253 = arith.addi %mul3A_2, %mul3A_252 : i32
      %dma_start3A_254 = arith.constant 0 : i32
      %dma_start3A_255 = tpu.memref_slice %arg7[%add3A_253, %dma_start3A_254] : memref<320000x80xf32, #tpu.memory_space<hbm>> -> memref<400x80xf32, #tpu.memory_space<hbm>>
      %dma_start3A_256 = arith.constant 0 : i32
      %dma_start3A_257 = tpu.memref_slice %arg7[%add3A_253, %dma_start3A_256] : memref<320000x80xf32, #tpu.memory_space<hbm>> -> memref<400x80xf32, #tpu.memory_space<hbm>>
      tpu.enqueue_dma source(%arg11 : memref<400x80xf32, #tpu.memory_space<vmem>>) target(%dma_start3A_257 : memref<400x80xf32, #tpu.memory_space<hbm>>) target_semaphore(%arg13 : memref<!tpu.dma_semaphore, #tpu.memory_space<semaphore_mem>>)
    }
    %scan3A_6 = arith.constant 25 : i32
    %dma_wait3A = arith.constant 0 : i32
    %dma_wait3A_7 = arith.constant 0 : i32
    %dma_wait3A_8 = tpu.memref_slice %arg6[%dma_wait3A, %dma_wait3A_7] : memref<320000x80xf32, #tpu.memory_space<hbm>> -> memref<400x80xf32, #tpu.memory_space<hbm>>
    %dma_wait3A_9 = arith.constant 0 : i32
    %dma_wait3A_10 = arith.constant 0 : i32
    %dma_wait3A_11 = tpu.memref_slice %arg6[%dma_wait3A_9, %dma_wait3A_10] : memref<320000x80xf32, #tpu.memory_space<hbm>> -> memref<400x80xf32, #tpu.memory_space<hbm>>
    tpu.wait_dma2 semaphore(%arg13 : memref<!tpu.dma_semaphore, #tpu.memory_space<semaphore_mem>>) src(%arg10 : memref<400x80xf32, #tpu.memory_space<vmem>>) dst(%dma_wait3A_11 : memref<400x80xf32, #tpu.memory_space<hbm>>)
    %dma_wait3A_12 = arith.constant 0 : i32
    %dma_wait3A_13 = arith.constant 0 : i32
    %dma_wait3A_14 = tpu.memref_slice %arg7[%dma_wait3A_12, %dma_wait3A_13] : memref<320000x80xf32, #tpu.memory_space<hbm>> -> memref<400x80xf32, #tpu.memory_space<hbm>>
    %dma_wait3A_15 = arith.constant 0 : i32
    %dma_wait3A_16 = arith.constant 0 : i32
    %dma_wait3A_17 = tpu.memref_slice %arg7[%dma_wait3A_15, %dma_wait3A_16] : memref<320000x80xf32, #tpu.memory_space<hbm>> -> memref<400x80xf32, #tpu.memory_space<hbm>>
    tpu.wait_dma2 semaphore(%arg13 : memref<!tpu.dma_semaphore, #tpu.memory_space<semaphore_mem>>) src(%arg11 : memref<400x80xf32, #tpu.memory_space<vmem>>) dst(%dma_wait3A_17 : memref<400x80xf32, #tpu.memory_space<hbm>>)
    return
  }
}

#map = affine_map<(d0, d1) -> (0, 0)>
#map1 = affine_map<(d0, d1) -> (0, 0, 0)>
module attributes {stable_mosaic.version = 14 : i64} {
  func.func @scatter_k(%arg0: i32, %arg1: i32, %arg2: memref<320000x64xf32, #tpu.memory_space<hbm>>, %arg3: memref<32x125x80xi32, #tpu.memory_space<hbm>>, %arg4: memref<10000x64xf32, #tpu.memory_space<hbm>>, %arg5: memref<2x10000x64xf32, #tpu.memory_space<hbm>>, %arg6: memref<125x80xi32, #tpu.memory_space<vmem>>, %arg7: memref<400x64xf32, #tpu.memory_space<vmem>>, %arg8: memref<10000x64xf32, #tpu.memory_space<vmem_shared>>, %arg9: memref<!tpu.dma_semaphore, #tpu.memory_space<semaphore_mem>>) attributes {dimension_semantics = [#tpu.dimension_semantics<core_parallel>, #tpu.dimension_semantics<subcore_parallel>], iteration_bounds = array<i64: 2, 16>, scalar_prefetch = 0 : i64, scratch_operands = 4 : i64, tpu.core_type = #tpu.core_type<sc_vector_subcore>, window_params = [{transform_indices = #map}, {transform_indices = #map1}, {transform_indices = #map}, {transform_indices = #map1}]} {
    %mul3A = arith.constant 2 : i32
    %mul3A_0 = arith.muli %arg1, %mul3A : i32
    %add3A = arith.addi %mul3A_0, %arg0 : i32
    %eq3A = arith.constant 0 : i32
    %eq3A_1 = arith.cmpi eq, %arg1, %eq3A : i32
    %convert_element_type3A = arith.extui %eq3A_1 : i1 to i32
    %cond3A = arith.constant 0 : i32
    %cond3A_2 = arith.cmpi ne, %convert_element_type3A, %cond3A : i32
    scf.if %cond3A_2 {
      "tpu.region"() ({
        %run_scoped3A = tpu.sem_alloc : memref<!tpu.dma_semaphore, #tpu.memory_space<semaphore_mem>>
        tpu.enqueue_dma source(%arg4 : memref<10000x64xf32, #tpu.memory_space<hbm>>) target(%arg8 : memref<10000x64xf32, #tpu.memory_space<vmem_shared>>) target_semaphore(%run_scoped3A : memref<!tpu.dma_semaphore, #tpu.memory_space<semaphore_mem>>)
        tpu.wait_dma2 semaphore(%run_scoped3A : memref<!tpu.dma_semaphore, #tpu.memory_space<semaphore_mem>>) src(%arg4 : memref<10000x64xf32, #tpu.memory_space<hbm>>) dst(%arg8 : memref<10000x64xf32, #tpu.memory_space<vmem_shared>>)
        tpu.yield
      }) : () -> ()
    } else {
    }
    "tpu.region"() ({
      %run_scoped3A = tpu.sem_alloc : memref<!tpu.dma_semaphore, #tpu.memory_space<semaphore_mem>>
      %dma_start3A = arith.constant 0 : i32
      %dma_start3A_13 = arith.constant 0 : i32
      %dma_start3A_14 = tpu.memref_slice %arg3[%add3A, %dma_start3A, %dma_start3A_13] : memref<32x125x80xi32, #tpu.memory_space<hbm>> -> memref<1x125x80xi32, #tpu.memory_space<hbm>>
      %dma_start3A_15 = tpu.memref_squeeze %dma_start3A_14 : memref<1x125x80xi32, #tpu.memory_space<hbm>> -> memref<125x80xi32, #tpu.memory_space<hbm>>
      %dma_start3A_16 = arith.constant 0 : i32
      %dma_start3A_17 = arith.constant 0 : i32
      %dma_start3A_18 = tpu.memref_slice %arg3[%add3A, %dma_start3A_16, %dma_start3A_17] : memref<32x125x80xi32, #tpu.memory_space<hbm>> -> memref<1x125x80xi32, #tpu.memory_space<hbm>>
      %dma_start3A_19 = tpu.memref_squeeze %dma_start3A_18 : memref<1x125x80xi32, #tpu.memory_space<hbm>> -> memref<125x80xi32, #tpu.memory_space<hbm>>
      tpu.enqueue_dma source(%dma_start3A_19 : memref<125x80xi32, #tpu.memory_space<hbm>>) target(%arg6 : memref<125x80xi32, #tpu.memory_space<vmem>>) target_semaphore(%run_scoped3A : memref<!tpu.dma_semaphore, #tpu.memory_space<semaphore_mem>>)
      %dma_wait3A = arith.constant 0 : i32
      %dma_wait3A_20 = arith.constant 0 : i32
      %dma_wait3A_21 = tpu.memref_slice %arg3[%add3A, %dma_wait3A, %dma_wait3A_20] : memref<32x125x80xi32, #tpu.memory_space<hbm>> -> memref<1x125x80xi32, #tpu.memory_space<hbm>>
      %dma_wait3A_22 = tpu.memref_squeeze %dma_wait3A_21 : memref<1x125x80xi32, #tpu.memory_space<hbm>> -> memref<125x80xi32, #tpu.memory_space<hbm>>
      %dma_wait3A_23 = arith.constant 0 : i32
      %dma_wait3A_24 = arith.constant 0 : i32
      %dma_wait3A_25 = tpu.memref_slice %arg3[%add3A, %dma_wait3A_23, %dma_wait3A_24] : memref<32x125x80xi32, #tpu.memory_space<hbm>> -> memref<1x125x80xi32, #tpu.memory_space<hbm>>
      %dma_wait3A_26 = tpu.memref_squeeze %dma_wait3A_25 : memref<1x125x80xi32, #tpu.memory_space<hbm>> -> memref<125x80xi32, #tpu.memory_space<hbm>>
      tpu.wait_dma2 semaphore(%run_scoped3A : memref<!tpu.dma_semaphore, #tpu.memory_space<semaphore_mem>>) src(%dma_wait3A_26 : memref<125x80xi32, #tpu.memory_space<hbm>>) dst(%arg6 : memref<125x80xi32, #tpu.memory_space<vmem>>)
      tpu.yield
    }) : () -> ()
    %barrier3A = arith.constant 0 : index
    tpu.barrier barrier_id(%barrier3A)
    %scan3A = arith.constant 0 : i32
    %scan3A_3 = arith.constant 25 : i32
    %scan3A_4 = arith.addi %scan3A, %scan3A_3 : i32
    %scan3A_5 = arith.constant 1 : i32
    scf.for %scan3A_13 = %scan3A to %scan3A_4 step %scan3A_5  : i32 {
      %mul3A_14 = arith.constant 1 : i32
      %mul3A_15 = arith.muli %scan3A_13, %mul3A_14 : i32
      %add3A_16 = arith.constant 0 : i32
      %add3A_17 = arith.addi %add3A_16, %mul3A_15 : i32
      %mul3A_18 = arith.constant 10000 : i32
      %mul3A_19 = arith.muli %add3A, %mul3A_18 : i32
      %mul3A_20 = arith.constant 400 : i32
      %mul3A_21 = arith.muli %add3A_17, %mul3A_20 : i32
      %add3A_22 = arith.addi %mul3A_19, %mul3A_21 : i32
      "tpu.region"() ({
        %run_scoped3A = tpu.sem_alloc : memref<!tpu.dma_semaphore, #tpu.memory_space<semaphore_mem>>
        %dma_start3A = arith.constant 0 : i32
        %dma_start3A_43 = tpu.memref_slice %arg2[%add3A_22, %dma_start3A] : memref<320000x64xf32, #tpu.memory_space<hbm>> -> memref<400x64xf32, #tpu.memory_space<hbm>>
        %dma_start3A_44 = arith.constant 0 : i32
        %dma_start3A_45 = tpu.memref_slice %arg2[%add3A_22, %dma_start3A_44] : memref<320000x64xf32, #tpu.memory_space<hbm>> -> memref<400x64xf32, #tpu.memory_space<hbm>>
        tpu.enqueue_dma source(%dma_start3A_45 : memref<400x64xf32, #tpu.memory_space<hbm>>) target(%arg7 : memref<400x64xf32, #tpu.memory_space<vmem>>) target_semaphore(%run_scoped3A : memref<!tpu.dma_semaphore, #tpu.memory_space<semaphore_mem>>)
        %dma_wait3A = arith.constant 0 : i32
        %dma_wait3A_46 = tpu.memref_slice %arg2[%add3A_22, %dma_wait3A] : memref<320000x64xf32, #tpu.memory_space<hbm>> -> memref<400x64xf32, #tpu.memory_space<hbm>>
        %dma_wait3A_47 = arith.constant 0 : i32
        %dma_wait3A_48 = tpu.memref_slice %arg2[%add3A_22, %dma_wait3A_47] : memref<320000x64xf32, #tpu.memory_space<hbm>> -> memref<400x64xf32, #tpu.memory_space<hbm>>
        tpu.wait_dma2 semaphore(%run_scoped3A : memref<!tpu.dma_semaphore, #tpu.memory_space<semaphore_mem>>) src(%dma_wait3A_48 : memref<400x64xf32, #tpu.memory_space<hbm>>) dst(%arg7 : memref<400x64xf32, #tpu.memory_space<vmem>>)
        tpu.yield
      }) : () -> ()
      %mul3A_23 = arith.constant 5 : i32
      %mul3A_24 = arith.muli %add3A_17, %mul3A_23 : i32
      %add3A_25 = arith.constant 0 : i32
      %add3A_26 = arith.addi %mul3A_24, %add3A_25 : i32
      "tpu.region"() ({
        %run_scoped3A = tpu.sem_alloc : memref<!tpu.dma_semaphore, #tpu.memory_space<semaphore_mem>>
        %dma_start3A = arith.constant 0 : i32
        %dma_start3A_43 = arith.constant 0 : i32
        %dma_start3A_44 = tpu.memref_slice %arg7[%dma_start3A, %dma_start3A_43] : memref<400x64xf32, #tpu.memory_space<vmem>> -> memref<80x64xf32, #tpu.memory_space<vmem>>
        %dma_start3A_45 = arith.constant 0 : i32
        %dma_start3A_46 = tpu.memref_slice %arg6[%add3A_26, %dma_start3A_45] : memref<125x80xi32, #tpu.memory_space<vmem>> -> memref<1x80xi32, #tpu.memory_space<vmem>>
        %dma_start3A_47 = tpu.memref_squeeze %dma_start3A_46 : memref<1x80xi32, #tpu.memory_space<vmem>> -> memref<80xi32, #tpu.memory_space<vmem>>
        %dma_start3A_48 = arith.constant 0 : i32
        %dma_start3A_49 = arith.constant 0 : i32
        %dma_start3A_50 = tpu.memref_slice %arg8[%dma_start3A_48, %dma_start3A_49] : memref<10000x64xf32, #tpu.memory_space<vmem_shared>> -> memref<10000x64xf32, #tpu.memory_space<vmem_shared>>
        tpu.enqueue_indirect_dma source(%dma_start3A_44 : memref<80x64xf32, #tpu.memory_space<vmem>>) target(%dma_start3A_50 : memref<10000x64xf32, #tpu.memory_space<vmem_shared>>) offsets(%dma_start3A_47 : memref<80xi32, #tpu.memory_space<vmem>>) semaphore(%run_scoped3A : memref<!tpu.dma_semaphore, #tpu.memory_space<semaphore_mem>>) {add = true}
        %dma_wait3A = arith.constant 0 : i32
        %dma_wait3A_51 = arith.constant 0 : i32
        %dma_wait3A_52 = tpu.memref_slice %arg7[%dma_wait3A, %dma_wait3A_51] : memref<400x64xf32, #tpu.memory_space<vmem>> -> memref<80x64xf32, #tpu.memory_space<vmem>>
        %dma_wait3A_53 = arith.constant 0 : i32
        %dma_wait3A_54 = tpu.memref_slice %arg6[%add3A_26, %dma_wait3A_53] : memref<125x80xi32, #tpu.memory_space<vmem>> -> memref<1x80xi32, #tpu.memory_space<vmem>>
        %dma_wait3A_55 = tpu.memref_squeeze %dma_wait3A_54 : memref<1x80xi32, #tpu.memory_space<vmem>> -> memref<80xi32, #tpu.memory_space<vmem>>
        %dma_wait3A_56 = arith.constant 0 : i32
        %dma_wait3A_57 = arith.constant 0 : i32
        %dma_wait3A_58 = tpu.memref_slice %arg8[%dma_wait3A_56, %dma_wait3A_57] : memref<10000x64xf32, #tpu.memory_space<vmem_shared>> -> memref<10000x64xf32, #tpu.memory_space<vmem_shared>>
        tpu.wait_indirect_dma semaphore(%run_scoped3A : memref<!tpu.dma_semaphore, #tpu.memory_space<semaphore_mem>>) src(%dma_wait3A_52 : memref<80x64xf32, #tpu.memory_space<vmem>>) dst(%dma_wait3A_58 : memref<10000x64xf32, #tpu.memory_space<vmem_shared>>)
        tpu.yield
      }) : () -> ()
      %mul3A_27 = arith.constant 5 : i32
      %mul3A_28 = arith.muli %add3A_17, %mul3A_27 : i32
      %add3A_29 = arith.constant 1 : i32
      %add3A_30 = arith.addi %mul3A_28, %add3A_29 : i32
      "tpu.region"() ({
        %run_scoped3A = tpu.sem_alloc : memref<!tpu.dma_semaphore, #tpu.memory_space<semaphore_mem>>
        %dma_start3A = arith.constant 80 : i32
        %dma_start3A_43 = arith.constant 0 : i32
        %dma_start3A_44 = tpu.memref_slice %arg7[%dma_start3A, %dma_start3A_43] : memref<400x64xf32, #tpu.memory_space<vmem>> -> memref<80x64xf32, #tpu.memory_space<vmem>>
        %dma_start3A_45 = arith.constant 0 : i32
        %dma_start3A_46 = tpu.memref_slice %arg6[%add3A_30, %dma_start3A_45] : memref<125x80xi32, #tpu.memory_space<vmem>> -> memref<1x80xi32, #tpu.memory_space<vmem>>
        %dma_start3A_47 = tpu.memref_squeeze %dma_start3A_46 : memref<1x80xi32, #tpu.memory_space<vmem>> -> memref<80xi32, #tpu.memory_space<vmem>>
        %dma_start3A_48 = arith.constant 0 : i32
        %dma_start3A_49 = arith.constant 0 : i32
        %dma_start3A_50 = tpu.memref_slice %arg8[%dma_start3A_48, %dma_start3A_49] : memref<10000x64xf32, #tpu.memory_space<vmem_shared>> -> memref<10000x64xf32, #tpu.memory_space<vmem_shared>>
        tpu.enqueue_indirect_dma source(%dma_start3A_44 : memref<80x64xf32, #tpu.memory_space<vmem>>) target(%dma_start3A_50 : memref<10000x64xf32, #tpu.memory_space<vmem_shared>>) offsets(%dma_start3A_47 : memref<80xi32, #tpu.memory_space<vmem>>) semaphore(%run_scoped3A : memref<!tpu.dma_semaphore, #tpu.memory_space<semaphore_mem>>) {add = true}
        %dma_wait3A = arith.constant 80 : i32
        %dma_wait3A_51 = arith.constant 0 : i32
        %dma_wait3A_52 = tpu.memref_slice %arg7[%dma_wait3A, %dma_wait3A_51] : memref<400x64xf32, #tpu.memory_space<vmem>> -> memref<80x64xf32, #tpu.memory_space<vmem>>
        %dma_wait3A_53 = arith.constant 0 : i32
        %dma_wait3A_54 = tpu.memref_slice %arg6[%add3A_30, %dma_wait3A_53] : memref<125x80xi32, #tpu.memory_space<vmem>> -> memref<1x80xi32, #tpu.memory_space<vmem>>
        %dma_wait3A_55 = tpu.memref_squeeze %dma_wait3A_54 : memref<1x80xi32, #tpu.memory_space<vmem>> -> memref<80xi32, #tpu.memory_space<vmem>>
        %dma_wait3A_56 = arith.constant 0 : i32
        %dma_wait3A_57 = arith.constant 0 : i32
        %dma_wait3A_58 = tpu.memref_slice %arg8[%dma_wait3A_56, %dma_wait3A_57] : memref<10000x64xf32, #tpu.memory_space<vmem_shared>> -> memref<10000x64xf32, #tpu.memory_space<vmem_shared>>
        tpu.wait_indirect_dma semaphore(%run_scoped3A : memref<!tpu.dma_semaphore, #tpu.memory_space<semaphore_mem>>) src(%dma_wait3A_52 : memref<80x64xf32, #tpu.memory_space<vmem>>) dst(%dma_wait3A_58 : memref<10000x64xf32, #tpu.memory_space<vmem_shared>>)
        tpu.yield
      }) : () -> ()
      %mul3A_31 = arith.constant 5 : i32
      %mul3A_32 = arith.muli %add3A_17, %mul3A_31 : i32
      %add3A_33 = arith.constant 2 : i32
      %add3A_34 = arith.addi %mul3A_32, %add3A_33 : i32
      "tpu.region"() ({
        %run_scoped3A = tpu.sem_alloc : memref<!tpu.dma_semaphore, #tpu.memory_space<semaphore_mem>>
        %dma_start3A = arith.constant 160 : i32
        %dma_start3A_43 = arith.constant 0 : i32
        %dma_start3A_44 = tpu.memref_slice %arg7[%dma_start3A, %dma_start3A_43] : memref<400x64xf32, #tpu.memory_space<vmem>> -> memref<80x64xf32, #tpu.memory_space<vmem>>
        %dma_start3A_45 = arith.constant 0 : i32
        %dma_start3A_46 = tpu.memref_slice %arg6[%add3A_34, %dma_start3A_45] : memref<125x80xi32, #tpu.memory_space<vmem>> -> memref<1x80xi32, #tpu.memory_space<vmem>>
        %dma_start3A_47 = tpu.memref_squeeze %dma_start3A_46 : memref<1x80xi32, #tpu.memory_space<vmem>> -> memref<80xi32, #tpu.memory_space<vmem>>
        %dma_start3A_48 = arith.constant 0 : i32
        %dma_start3A_49 = arith.constant 0 : i32
        %dma_start3A_50 = tpu.memref_slice %arg8[%dma_start3A_48, %dma_start3A_49] : memref<10000x64xf32, #tpu.memory_space<vmem_shared>> -> memref<10000x64xf32, #tpu.memory_space<vmem_shared>>
        tpu.enqueue_indirect_dma source(%dma_start3A_44 : memref<80x64xf32, #tpu.memory_space<vmem>>) target(%dma_start3A_50 : memref<10000x64xf32, #tpu.memory_space<vmem_shared>>) offsets(%dma_start3A_47 : memref<80xi32, #tpu.memory_space<vmem>>) semaphore(%run_scoped3A : memref<!tpu.dma_semaphore, #tpu.memory_space<semaphore_mem>>) {add = true}
        %dma_wait3A = arith.constant 160 : i32
        %dma_wait3A_51 = arith.constant 0 : i32
        %dma_wait3A_52 = tpu.memref_slice %arg7[%dma_wait3A, %dma_wait3A_51] : memref<400x64xf32, #tpu.memory_space<vmem>> -> memref<80x64xf32, #tpu.memory_space<vmem>>
        %dma_wait3A_53 = arith.constant 0 : i32
        %dma_wait3A_54 = tpu.memref_slice %arg6[%add3A_34, %dma_wait3A_53] : memref<125x80xi32, #tpu.memory_space<vmem>> -> memref<1x80xi32, #tpu.memory_space<vmem>>
        %dma_wait3A_55 = tpu.memref_squeeze %dma_wait3A_54 : memref<1x80xi32, #tpu.memory_space<vmem>> -> memref<80xi32, #tpu.memory_space<vmem>>
        %dma_wait3A_56 = arith.constant 0 : i32
        %dma_wait3A_57 = arith.constant 0 : i32
        %dma_wait3A_58 = tpu.memref_slice %arg8[%dma_wait3A_56, %dma_wait3A_57] : memref<10000x64xf32, #tpu.memory_space<vmem_shared>> -> memref<10000x64xf32, #tpu.memory_space<vmem_shared>>
        tpu.wait_indirect_dma semaphore(%run_scoped3A : memref<!tpu.dma_semaphore, #tpu.memory_space<semaphore_mem>>) src(%dma_wait3A_52 : memref<80x64xf32, #tpu.memory_space<vmem>>) dst(%dma_wait3A_58 : memref<10000x64xf32, #tpu.memory_space<vmem_shared>>)
        tpu.yield
      }) : () -> ()
      %mul3A_35 = arith.constant 5 : i32
      %mul3A_36 = arith.muli %add3A_17, %mul3A_35 : i32
      %add3A_37 = arith.constant 3 : i32
      %add3A_38 = arith.addi %mul3A_36, %add3A_37 : i32
      "tpu.region"() ({
        %run_scoped3A = tpu.sem_alloc : memref<!tpu.dma_semaphore, #tpu.memory_space<semaphore_mem>>
        %dma_start3A = arith.constant 240 : i32
        %dma_start3A_43 = arith.constant 0 : i32
        %dma_start3A_44 = tpu.memref_slice %arg7[%dma_start3A, %dma_start3A_43] : memref<400x64xf32, #tpu.memory_space<vmem>> -> memref<80x64xf32, #tpu.memory_space<vmem>>
        %dma_start3A_45 = arith.constant 0 : i32
        %dma_start3A_46 = tpu.memref_slice %arg6[%add3A_38, %dma_start3A_45] : memref<125x80xi32, #tpu.memory_space<vmem>> -> memref<1x80xi32, #tpu.memory_space<vmem>>
        %dma_start3A_47 = tpu.memref_squeeze %dma_start3A_46 : memref<1x80xi32, #tpu.memory_space<vmem>> -> memref<80xi32, #tpu.memory_space<vmem>>
        %dma_start3A_48 = arith.constant 0 : i32
        %dma_start3A_49 = arith.constant 0 : i32
        %dma_start3A_50 = tpu.memref_slice %arg8[%dma_start3A_48, %dma_start3A_49] : memref<10000x64xf32, #tpu.memory_space<vmem_shared>> -> memref<10000x64xf32, #tpu.memory_space<vmem_shared>>
        tpu.enqueue_indirect_dma source(%dma_start3A_44 : memref<80x64xf32, #tpu.memory_space<vmem>>) target(%dma_start3A_50 : memref<10000x64xf32, #tpu.memory_space<vmem_shared>>) offsets(%dma_start3A_47 : memref<80xi32, #tpu.memory_space<vmem>>) semaphore(%run_scoped3A : memref<!tpu.dma_semaphore, #tpu.memory_space<semaphore_mem>>) {add = true}
        %dma_wait3A = arith.constant 240 : i32
        %dma_wait3A_51 = arith.constant 0 : i32
        %dma_wait3A_52 = tpu.memref_slice %arg7[%dma_wait3A, %dma_wait3A_51] : memref<400x64xf32, #tpu.memory_space<vmem>> -> memref<80x64xf32, #tpu.memory_space<vmem>>
        %dma_wait3A_53 = arith.constant 0 : i32
        %dma_wait3A_54 = tpu.memref_slice %arg6[%add3A_38, %dma_wait3A_53] : memref<125x80xi32, #tpu.memory_space<vmem>> -> memref<1x80xi32, #tpu.memory_space<vmem>>
        %dma_wait3A_55 = tpu.memref_squeeze %dma_wait3A_54 : memref<1x80xi32, #tpu.memory_space<vmem>> -> memref<80xi32, #tpu.memory_space<vmem>>
        %dma_wait3A_56 = arith.constant 0 : i32
        %dma_wait3A_57 = arith.constant 0 : i32
        %dma_wait3A_58 = tpu.memref_slice %arg8[%dma_wait3A_56, %dma_wait3A_57] : memref<10000x64xf32, #tpu.memory_space<vmem_shared>> -> memref<10000x64xf32, #tpu.memory_space<vmem_shared>>
        tpu.wait_indirect_dma semaphore(%run_scoped3A : memref<!tpu.dma_semaphore, #tpu.memory_space<semaphore_mem>>) src(%dma_wait3A_52 : memref<80x64xf32, #tpu.memory_space<vmem>>) dst(%dma_wait3A_58 : memref<10000x64xf32, #tpu.memory_space<vmem_shared>>)
        tpu.yield
      }) : () -> ()
      %mul3A_39 = arith.constant 5 : i32
      %mul3A_40 = arith.muli %add3A_17, %mul3A_39 : i32
      %add3A_41 = arith.constant 4 : i32
      %add3A_42 = arith.addi %mul3A_40, %add3A_41 : i32
      "tpu.region"() ({
        %run_scoped3A = tpu.sem_alloc : memref<!tpu.dma_semaphore, #tpu.memory_space<semaphore_mem>>
        %dma_start3A = arith.constant 320 : i32
        %dma_start3A_43 = arith.constant 0 : i32
        %dma_start3A_44 = tpu.memref_slice %arg7[%dma_start3A, %dma_start3A_43] : memref<400x64xf32, #tpu.memory_space<vmem>> -> memref<80x64xf32, #tpu.memory_space<vmem>>
        %dma_start3A_45 = arith.constant 0 : i32
        %dma_start3A_46 = tpu.memref_slice %arg6[%add3A_42, %dma_start3A_45] : memref<125x80xi32, #tpu.memory_space<vmem>> -> memref<1x80xi32, #tpu.memory_space<vmem>>
        %dma_start3A_47 = tpu.memref_squeeze %dma_start3A_46 : memref<1x80xi32, #tpu.memory_space<vmem>> -> memref<80xi32, #tpu.memory_space<vmem>>
        %dma_start3A_48 = arith.constant 0 : i32
        %dma_start3A_49 = arith.constant 0 : i32
        %dma_start3A_50 = tpu.memref_slice %arg8[%dma_start3A_48, %dma_start3A_49] : memref<10000x64xf32, #tpu.memory_space<vmem_shared>> -> memref<10000x64xf32, #tpu.memory_space<vmem_shared>>
        tpu.enqueue_indirect_dma source(%dma_start3A_44 : memref<80x64xf32, #tpu.memory_space<vmem>>) target(%dma_start3A_50 : memref<10000x64xf32, #tpu.memory_space<vmem_shared>>) offsets(%dma_start3A_47 : memref<80xi32, #tpu.memory_space<vmem>>) semaphore(%run_scoped3A : memref<!tpu.dma_semaphore, #tpu.memory_space<semaphore_mem>>) {add = true}
        %dma_wait3A = arith.constant 320 : i32
        %dma_wait3A_51 = arith.constant 0 : i32
        %dma_wait3A_52 = tpu.memref_slice %arg7[%dma_wait3A, %dma_wait3A_51] : memref<400x64xf32, #tpu.memory_space<vmem>> -> memref<80x64xf32, #tpu.memory_space<vmem>>
        %dma_wait3A_53 = arith.constant 0 : i32
        %dma_wait3A_54 = tpu.memref_slice %arg6[%add3A_42, %dma_wait3A_53] : memref<125x80xi32, #tpu.memory_space<vmem>> -> memref<1x80xi32, #tpu.memory_space<vmem>>
        %dma_wait3A_55 = tpu.memref_squeeze %dma_wait3A_54 : memref<1x80xi32, #tpu.memory_space<vmem>> -> memref<80xi32, #tpu.memory_space<vmem>>
        %dma_wait3A_56 = arith.constant 0 : i32
        %dma_wait3A_57 = arith.constant 0 : i32
        %dma_wait3A_58 = tpu.memref_slice %arg8[%dma_wait3A_56, %dma_wait3A_57] : memref<10000x64xf32, #tpu.memory_space<vmem_shared>> -> memref<10000x64xf32, #tpu.memory_space<vmem_shared>>
        tpu.wait_indirect_dma semaphore(%run_scoped3A : memref<!tpu.dma_semaphore, #tpu.memory_space<semaphore_mem>>) src(%dma_wait3A_52 : memref<80x64xf32, #tpu.memory_space<vmem>>) dst(%dma_wait3A_58 : memref<10000x64xf32, #tpu.memory_space<vmem_shared>>)
        tpu.yield
      }) : () -> ()
    }
    %scan3A_6 = arith.constant 25 : i32
    %barrier3A_7 = arith.constant 0 : index
    tpu.barrier barrier_id(%barrier3A_7)
    %eq3A_8 = arith.constant 0 : i32
    %eq3A_9 = arith.cmpi eq, %arg1, %eq3A_8 : i32
    %convert_element_type3A_10 = arith.extui %eq3A_9 : i1 to i32
    %cond3A_11 = arith.constant 0 : i32
    %cond3A_12 = arith.cmpi ne, %convert_element_type3A_10, %cond3A_11 : i32
    scf.if %cond3A_12 {
      "tpu.region"() ({
        %run_scoped3A = tpu.sem_alloc : memref<!tpu.dma_semaphore, #tpu.memory_space<semaphore_mem>>
        %dma_start3A = arith.constant 0 : i32
        %dma_start3A_13 = arith.constant 0 : i32
        %dma_start3A_14 = tpu.memref_slice %arg5[%arg0, %dma_start3A, %dma_start3A_13] : memref<2x10000x64xf32, #tpu.memory_space<hbm>> -> memref<1x10000x64xf32, #tpu.memory_space<hbm>>
        %dma_start3A_15 = tpu.memref_squeeze %dma_start3A_14 : memref<1x10000x64xf32, #tpu.memory_space<hbm>> -> memref<10000x64xf32, #tpu.memory_space<hbm>>
        tpu.enqueue_dma source(%arg8 : memref<10000x64xf32, #tpu.memory_space<vmem_shared>>) target(%dma_start3A_15 : memref<10000x64xf32, #tpu.memory_space<hbm>>) target_semaphore(%run_scoped3A : memref<!tpu.dma_semaphore, #tpu.memory_space<semaphore_mem>>)
        %dma_wait3A = arith.constant 0 : i32
        %dma_wait3A_16 = arith.constant 0 : i32
        %dma_wait3A_17 = tpu.memref_slice %arg5[%arg0, %dma_wait3A, %dma_wait3A_16] : memref<2x10000x64xf32, #tpu.memory_space<hbm>> -> memref<1x10000x64xf32, #tpu.memory_space<hbm>>
        %dma_wait3A_18 = tpu.memref_squeeze %dma_wait3A_17 : memref<1x10000x64xf32, #tpu.memory_space<hbm>> -> memref<10000x64xf32, #tpu.memory_space<hbm>>
        tpu.wait_dma2 semaphore(%run_scoped3A : memref<!tpu.dma_semaphore, #tpu.memory_space<semaphore_mem>>) src(%arg8 : memref<10000x64xf32, #tpu.memory_space<vmem_shared>>) dst(%dma_wait3A_18 : memref<10000x64xf32, #tpu.memory_space<hbm>>)
        tpu.yield
      }) : () -> ()
    } else {
    }
    return
  }
}

module attributes {stable_mosaic.version = 14 : i64} {
  func.func @_prep_body(%arg0: i32, %arg1: memref<1000x128xf32, #tpu.memory_space<vmem>>, %arg2: memref<1000x16xf32, #tpu.memory_space<vmem>>, %arg3: memref<128x64xf32, #tpu.memory_space<vmem>>, %arg4: memref<128x64xf32, #tpu.memory_space<vmem>>, %arg5: memref<1000x80xf32, #tpu.memory_space<vmem>>, %arg6: memref<1000x80xf32, #tpu.memory_space<vmem>>) attributes {dimension_semantics = [#tpu.dimension_semantics<arbitrary>], iteration_bounds = array<i64: 10>, scalar_prefetch = 0 : i64, scratch_operands = 0 : i64, tpu.core_type = #tpu.core_type<tc>, window_params = [{transform_indices = @transform_0, window_bounds = array<i64: 1000, 128>}, {transform_indices = @transform_1, window_bounds = array<i64: 1000, 16>}, {pipeline_mode = #tpu.pipeline_mode<synchronous>, transform_indices = @transform_2, window_bounds = array<i64: 128, 64>}, {pipeline_mode = #tpu.pipeline_mode<synchronous>, transform_indices = @transform_3, window_bounds = array<i64: 128, 64>}, {transform_indices = @transform_4, window_bounds = array<i64: 1000, 80>}, {transform_indices = @transform_5, window_bounds = array<i64: 1000, 80>}]} {
    %get3A = arith.constant 0 : index
    %get3A_0 = arith.constant 0 : index
    %get3A_1 = vector.load %arg1[%get3A, %get3A_0] : memref<1000x128xf32, #tpu.memory_space<vmem>>, vector<1000x128xf32>
    %get3A_2 = arith.constant 0 : index
    %get3A_3 = arith.constant 0 : index
    %get3A_4 = vector.load %arg2[%get3A_2, %get3A_3] : memref<1000x16xf32, #tpu.memory_space<vmem>>, vector<1000x16xf32>
    %get3A_5 = arith.constant 0 : index
    %get3A_6 = arith.constant 0 : index
    %get3A_7 = vector.load %arg3[%get3A_5, %get3A_6] : memref<128x64xf32, #tpu.memory_space<vmem>>, vector<128x64xf32>
    %dot_general3A = arith.constant dense<0.000000e+00> : vector<1000x64xf32>
    %dot_general3A_8 = tpu.matmul %get3A_1, %get3A_7, %dot_general3A {dimension_numbers = #tpu.dot_dimension_numbers<[1], [0], [0], [1], [0, 0, 1, 1], [], []>, precision = #tpu.contract_precision<fp32>, transpose_lhs_hint = false} : vector<1000x128xf32>, vector<128x64xf32>, vector<1000x64xf32> -> vector<1000x64xf32>
    %concatenate3A = tpu.concatenate %dot_general3A_8, %get3A_4 in 1 : vector<1000x64xf32>, vector<1000x16xf32> -> vector<1000x80xf32>
    %swap3A = arith.constant 0 : index
    %swap3A_9 = arith.constant 0 : index
    %swap3A_10 = vector.load %arg5[%swap3A, %swap3A_9] : memref<1000x80xf32, #tpu.memory_space<vmem>>, vector<1000x80xf32>
    tpu.vector_store %arg5[%swap3A, %swap3A_9], %concatenate3A {strides = array<i32>} : memref<1000x80xf32, #tpu.memory_space<vmem>>, vector<1000x80xf32>,
    %get3A_11 = arith.constant 0 : index
    %get3A_12 = arith.constant 0 : index
    %get3A_13 = vector.load %arg4[%get3A_11, %get3A_12] : memref<128x64xf32, #tpu.memory_space<vmem>>, vector<128x64xf32>
    %dot_general3A_14 = arith.constant dense<0.000000e+00> : vector<1000x64xf32>
    %dot_general3A_15 = tpu.matmul %get3A_1, %get3A_13, %dot_general3A_14 {dimension_numbers = #tpu.dot_dimension_numbers<[1], [0], [0], [1], [0, 0, 1, 1], [], []>, precision = #tpu.contract_precision<fp32>, transpose_lhs_hint = false} : vector<1000x128xf32>, vector<128x64xf32>, vector<1000x64xf32> -> vector<1000x64xf32>
    %neg3A = arith.constant 0.000000e+00 : f32
    %neg3A_16 = vector.broadcast %neg3A : f32 to vector<1000x16xf32>
    %neg3A_17 = arith.subf %neg3A_16, %get3A_4 : vector<1000x16xf32>
    %concatenate3A_18 = tpu.concatenate %dot_general3A_15, %neg3A_17 in 1 : vector<1000x64xf32>, vector<1000x16xf32> -> vector<1000x80xf32>
    %swap3A_19 = arith.constant 0 : index
    %swap3A_20 = arith.constant 0 : index
    %swap3A_21 = vector.load %arg6[%swap3A_19, %swap3A_20] : memref<1000x80xf32, #tpu.memory_space<vmem>>, vector<1000x80xf32>
    tpu.vector_store %arg6[%swap3A_19, %swap3A_20], %concatenate3A_18 {strides = array<i32>} : memref<1000x80xf32, #tpu.memory_space<vmem>>, vector<1000x80xf32>,
    return
  }
  func.func @transform_0(%arg0: i32) -> (i32, i32) {
    %c0_i32 = arith.constant 0 : i32
    %c0_i32_0 = arith.constant 0 : i32
    return %arg0, %c0_i32 : i32, i32
  }
  func.func @transform_1(%arg0: i32) -> (i32, i32) {
    %c0_i32 = arith.constant 0 : i32
    %c0_i32_0 = arith.constant 0 : i32
    return %arg0, %c0_i32 : i32, i32
  }
  func.func @transform_2(%arg0: i32) -> (i32, i32) {
    %c0_i32 = arith.constant 0 : i32
    %c0_i32_0 = arith.constant 0 : i32
    %c0_i32_1 = arith.constant 0 : i32
    return %c0_i32, %c0_i32_0 : i32, i32
  }
  func.func @transform_3(%arg0: i32) -> (i32, i32) {
    %c0_i32 = arith.constant 0 : i32
    %c0_i32_0 = arith.constant 0 : i32
    %c0_i32_1 = arith.constant 0 : i32
    return %c0_i32, %c0_i32_0 : i32, i32
  }
  func.func @transform_4(%arg0: i32) -> (i32, i32) {
    %c0_i32 = arith.constant 0 : i32
    %c0_i32_0 = arith.constant 0 : i32
    return %arg0, %c0_i32 : i32, i32
  }
  func.func @transform_5(%arg0: i32) -> (i32, i32) {
    %c0_i32 = arith.constant 0 : i32
    %c0_i32_0 = arith.constant 0 : i32
    return %arg0, %c0_i32 : i32, i32
  }
}

module attributes {stable_mosaic.version = 14 : i64} {
  func.func @_edge_body(%arg0: i32, %arg1: memref<2000x80xf32, #tpu.memory_space<vmem>>, %arg2: memref<2000x80xf32, #tpu.memory_space<vmem>>, %arg3: memref<2000x8xf32, #tpu.memory_space<vmem>>, %arg4: memref<2000x1xf32, #tpu.memory_space<vmem>>, %arg5: memref<2x64xf32, #tpu.memory_space<vmem>>, %arg6: memref<8x64xf32, #tpu.memory_space<vmem>>, %arg7: memref<1x64xf32, #tpu.memory_space<vmem>>, %arg8: memref<64x64xf32, #tpu.memory_space<vmem>>, %arg9: memref<1x64xf32, #tpu.memory_space<vmem>>, %arg10: memref<2x32xf32, #tpu.memory_space<vmem>>, %arg11: memref<8x32xf32, #tpu.memory_space<vmem>>, %arg12: memref<1x32xf32, #tpu.memory_space<vmem>>, %arg13: memref<1x32xf32, #tpu.memory_space<vmem>>, %arg14: memref<1x1xf32, #tpu.memory_space<vmem>>, %arg15: memref<2000x64xf32, #tpu.memory_space<vmem>>) attributes {dimension_semantics = [#tpu.dimension_semantics<arbitrary>], iteration_bounds = array<i64: 160>, scalar_prefetch = 0 : i64, scratch_operands = 0 : i64, tpu.core_type = #tpu.core_type<tc>, window_params = [{transform_indices = @transform_0, window_bounds = array<i64: 2000, 80>}, {transform_indices = @transform_1, window_bounds = array<i64: 2000, 80>}, {transform_indices = @transform_2, window_bounds = array<i64: 2000, 8>}, {transform_indices = @transform_3, window_bounds = array<i64: 2000, 1>}, {pipeline_mode = #tpu.pipeline_mode<synchronous>, transform_indices = @transform_4, window_bounds = array<i64: 2, 64>}, {pipeline_mode = #tpu.pipeline_mode<synchronous>, transform_indices = @transform_5, window_bounds = array<i64: 8, 64>}, {pipeline_mode = #tpu.pipeline_mode<synchronous>, transform_indices = @transform_6, window_bounds = array<i64: 1, 64>}, {pipeline_mode = #tpu.pipeline_mode<synchronous>, transform_indices = @transform_7, window_bounds = array<i64: 64, 64>}, {pipeline_mode = #tpu.pipeline_mode<synchronous>, transform_indices = @transform_8, window_bounds = array<i64: 1, 64>}, {pipeline_mode = #tpu.pipeline_mode<synchronous>, transform_indices = @transform_9, window_bounds = array<i64: 2, 32>}, {pipeline_mode = #tpu.pipeline_mode<synchronous>, transform_indices = @transform_10, window_bounds = array<i64: 8, 32>}, {pipeline_mode = #tpu.pipeline_mode<synchronous>, transform_indices = @transform_11, window_bounds = array<i64: 1, 32>}, {pipeline_mode = #tpu.pipeline_mode<synchronous>, transform_indices = @transform_12, window_bounds = array<i64: 1, 32>}, {pipeline_mode = #tpu.pipeline_mode<synchronous>, transform_indices = @transform_13, window_bounds = array<i64: 1, 1>}, {transform_indices = @transform_14, window_bounds = array<i64: 2000, 64>}]} {
    %get3A = arith.constant 0 : index
    %get3A_0 = arith.constant 0 : index
    %get3A_1 = vector.load %arg1[%get3A, %get3A_0] : memref<2000x80xf32, #tpu.memory_space<vmem>>, vector<2000x80xf32>
    %get3A_2 = arith.constant 0 : index
    %get3A_3 = arith.constant 0 : index
    %get3A_4 = vector.load %arg2[%get3A_2, %get3A_3] : memref<2000x80xf32, #tpu.memory_space<vmem>>, vector<2000x80xf32>
    %add3A = arith.addf %get3A_1, %get3A_4 : vector<2000x80xf32>
    %slice3A = vector.extract_strided_slice %add3A {offsets = [0, 0], sizes = [2000, 64], strides = [1, 1]} : vector<2000x80xf32> to vector<2000x64xf32>
    %slice3A_5 = vector.extract_strided_slice %add3A {offsets = [0, 64], sizes = [2000, 16], strides = [1, 1]} : vector<2000x80xf32> to vector<2000x16xf32>
    %mul3A = arith.mulf %slice3A_5, %slice3A_5 : vector<2000x16xf32>
    %reduce_sum3A = arith.constant dense<0.000000e+00> : vector<2000xf32>
    %reduce_sum3A_6 = vector.multi_reduction <add>, %mul3A, %reduce_sum3A [1] : vector<2000x16xf32> to vector<2000xf32>
    %broadcast_in_dim3A = vector.shape_cast %reduce_sum3A_6 : vector<2000xf32> to vector<2000x1xf32>
    %add3A_7 = arith.constant 9.99999971E-10 : f32
    %add3A_8 = vector.broadcast %add3A_7 : f32 to vector<2000x1xf32>
    %add3A_9 = arith.addf %broadcast_in_dim3A, %add3A_8 : vector<2000x1xf32>
    %sqrt3A = math.sqrt %add3A_9 : vector<2000x1xf32>
    %get3A_10 = arith.constant 0 : index
    %get3A_11 = arith.constant 0 : index
    %get3A_12 = vector.load %arg4[%get3A_10, %get3A_11] : memref<2000x1xf32, #tpu.memory_space<vmem>>, vector<2000x1xf32>
    %sub3A = arith.subf %sqrt3A, %get3A_12 : vector<2000x1xf32>
    %add3A_13 = arith.constant 9.99999971E-10 : f32
    %add3A_14 = vector.broadcast %add3A_13 : f32 to vector<2000x1xf32>
    %add3A_15 = arith.addf %get3A_12, %add3A_14 : vector<2000x1xf32>
    %div3A = arith.divf %sub3A, %add3A_15 : vector<2000x1xf32>
    %get3A_16 = arith.constant 0 : index
    %get3A_17 = arith.constant 0 : index
    %get3A_18 = vector.load %arg3[%get3A_16, %get3A_17] : memref<2000x8xf32, #tpu.memory_space<vmem>>, vector<2000x8xf32>
    %get3A_19 = arith.constant 0 : index
    %get3A_20 = arith.constant 0 : index
    %get3A_21 = vector.load %arg5[%get3A_19, %get3A_20] : memref<2x64xf32, #tpu.memory_space<vmem>>, vector<2x64xf32>
    %slice3A_22 = vector.extract_strided_slice %get3A_21 {offsets = [0, 0], sizes = [1, 64], strides = [1, 1]} : vector<2x64xf32> to vector<1x64xf32>
    %mul3A_23 = vector.broadcast %broadcast_in_dim3A : vector<2000x1xf32> to vector<2000x64xf32>
    %mul3A_24 = vector.broadcast %slice3A_22 : vector<1x64xf32> to vector<2000x64xf32>
    %mul3A_25 = arith.mulf %mul3A_23, %mul3A_24 : vector<2000x64xf32>
    %add3A_26 = arith.addf %slice3A, %mul3A_25 : vector<2000x64xf32>
    %slice3A_27 = vector.extract_strided_slice %get3A_21 {offsets = [1, 0], sizes = [1, 64], strides = [1, 1]} : vector<2x64xf32> to vector<1x64xf32>
    %mul3A_28 = vector.broadcast %div3A : vector<2000x1xf32> to vector<2000x64xf32>
    %mul3A_29 = vector.broadcast %slice3A_27 : vector<1x64xf32> to vector<2000x64xf32>
    %mul3A_30 = arith.mulf %mul3A_28, %mul3A_29 : vector<2000x64xf32>
    %add3A_31 = arith.addf %add3A_26, %mul3A_30 : vector<2000x64xf32>
    %get3A_32 = arith.constant 0 : index
    %get3A_33 = arith.constant 0 : index
    %get3A_34 = vector.load %arg6[%get3A_32, %get3A_33] : memref<8x64xf32, #tpu.memory_space<vmem>>, vector<8x64xf32>
    %dot_general3A = arith.constant dense<0.000000e+00> : vector<2000x64xf32>
    %dot_general3A_35 = tpu.matmul %get3A_18, %get3A_34, %dot_general3A {dimension_numbers = #tpu.dot_dimension_numbers<[1], [0], [0], [1], [0, 0, 1, 1], [], []>, precision = #tpu.contract_precision<fp32>, transpose_lhs_hint = false} : vector<2000x8xf32>, vector<8x64xf32>, vector<2000x64xf32> -> vector<2000x64xf32>
    %add3A_36 = arith.addf %add3A_31, %dot_general3A_35 : vector<2000x64xf32>
    %get3A_37 = arith.constant 0 : index
    %get3A_38 = arith.constant 0 : index
    %get3A_39 = vector.load %arg7[%get3A_37, %get3A_38] : memref<1x64xf32, #tpu.memory_space<vmem>>, vector<1x64xf32>
    %add3A_40 = vector.broadcast %get3A_39 : vector<1x64xf32> to vector<2000x64xf32>
    %add3A_41 = arith.addf %add3A_36, %add3A_40 : vector<2000x64xf32>
    %logistic3A = arith.negf %add3A_41 : vector<2000x64xf32>
    %logistic3A_42 = math.exp %logistic3A : vector<2000x64xf32>
    %logistic3A_43 = arith.constant 1.000000e+00 : f32
    %logistic3A_44 = vector.broadcast %logistic3A_43 : f32 to vector<2000x64xf32>
    %logistic3A_45 = arith.addf %logistic3A_44, %logistic3A_42 : vector<2000x64xf32>
    %logistic3A_46 = arith.divf %logistic3A_44, %logistic3A_45 : vector<2000x64xf32>
    %mul3A_47 = arith.mulf %add3A_41, %logistic3A_46 : vector<2000x64xf32>
    %get3A_48 = arith.constant 0 : index
    %get3A_49 = arith.constant 0 : index
    %get3A_50 = vector.load %arg8[%get3A_48, %get3A_49] : memref<64x64xf32, #tpu.memory_space<vmem>>, vector<64x64xf32>
    %dot_general3A_51 = arith.constant dense<0.000000e+00> : vector<2000x64xf32>
    %dot_general3A_52 = tpu.matmul %mul3A_47, %get3A_50, %dot_general3A_51 {dimension_numbers = #tpu.dot_dimension_numbers<[1], [0], [0], [1], [0, 0, 1, 1], [], []>, precision = #tpu.contract_precision<fp32>, transpose_lhs_hint = false} : vector<2000x64xf32>, vector<64x64xf32>, vector<2000x64xf32> -> vector<2000x64xf32>
    %get3A_53 = arith.constant 0 : index
    %get3A_54 = arith.constant 0 : index
    %get3A_55 = vector.load %arg9[%get3A_53, %get3A_54] : memref<1x64xf32, #tpu.memory_space<vmem>>, vector<1x64xf32>
    %add3A_56 = vector.broadcast %get3A_55 : vector<1x64xf32> to vector<2000x64xf32>
    %add3A_57 = arith.addf %dot_general3A_52, %add3A_56 : vector<2000x64xf32>
    %logistic3A_58 = arith.negf %add3A_57 : vector<2000x64xf32>
    %logistic3A_59 = math.exp %logistic3A_58 : vector<2000x64xf32>
    %logistic3A_60 = arith.constant 1.000000e+00 : f32
    %logistic3A_61 = vector.broadcast %logistic3A_60 : f32 to vector<2000x64xf32>
    %logistic3A_62 = arith.addf %logistic3A_61, %logistic3A_59 : vector<2000x64xf32>
    %logistic3A_63 = arith.divf %logistic3A_61, %logistic3A_62 : vector<2000x64xf32>
    %mul3A_64 = arith.mulf %add3A_57, %logistic3A_63 : vector<2000x64xf32>
    %get3A_65 = arith.constant 0 : index
    %get3A_66 = arith.constant 0 : index
    %get3A_67 = vector.load %arg10[%get3A_65, %get3A_66] : memref<2x32xf32, #tpu.memory_space<vmem>>, vector<2x32xf32>
    %slice3A_68 = vector.extract_strided_slice %get3A_67 {offsets = [0, 0], sizes = [1, 32], strides = [1, 1]} : vector<2x32xf32> to vector<1x32xf32>
    %mul3A_69 = vector.broadcast %broadcast_in_dim3A : vector<2000x1xf32> to vector<2000x32xf32>
    %mul3A_70 = vector.broadcast %slice3A_68 : vector<1x32xf32> to vector<2000x32xf32>
    %mul3A_71 = arith.mulf %mul3A_69, %mul3A_70 : vector<2000x32xf32>
    %slice3A_72 = vector.extract_strided_slice %get3A_67 {offsets = [1, 0], sizes = [1, 32], strides = [1, 1]} : vector<2x32xf32> to vector<1x32xf32>
    %mul3A_73 = vector.broadcast %div3A : vector<2000x1xf32> to vector<2000x32xf32>
    %mul3A_74 = vector.broadcast %slice3A_72 : vector<1x32xf32> to vector<2000x32xf32>
    %mul3A_75 = arith.mulf %mul3A_73, %mul3A_74 : vector<2000x32xf32>
    %add3A_76 = arith.addf %mul3A_71, %mul3A_75 : vector<2000x32xf32>
    %get3A_77 = arith.constant 0 : index
    %get3A_78 = arith.constant 0 : index
    %get3A_79 = vector.load %arg11[%get3A_77, %get3A_78] : memref<8x32xf32, #tpu.memory_space<vmem>>, vector<8x32xf32>
    %dot_general3A_80 = arith.constant dense<0.000000e+00> : vector<2000x32xf32>
    %dot_general3A_81 = tpu.matmul %get3A_18, %get3A_79, %dot_general3A_80 {dimension_numbers = #tpu.dot_dimension_numbers<[1], [0], [0], [1], [0, 0, 1, 1], [], []>, precision = #tpu.contract_precision<fp32>, transpose_lhs_hint = false} : vector<2000x8xf32>, vector<8x32xf32>, vector<2000x32xf32> -> vector<2000x32xf32>
    %add3A_82 = arith.addf %add3A_76, %dot_general3A_81 : vector<2000x32xf32>
    %get3A_83 = arith.constant 0 : index
    %get3A_84 = arith.constant 0 : index
    %get3A_85 = vector.load %arg12[%get3A_83, %get3A_84] : memref<1x32xf32, #tpu.memory_space<vmem>>, vector<1x32xf32>
    %add3A_86 = vector.broadcast %get3A_85 : vector<1x32xf32> to vector<2000x32xf32>
    %add3A_87 = arith.addf %add3A_82, %add3A_86 : vector<2000x32xf32>
    %logistic3A_88 = arith.negf %add3A_87 : vector<2000x32xf32>
    %logistic3A_89 = math.exp %logistic3A_88 : vector<2000x32xf32>
    %logistic3A_90 = arith.constant 1.000000e+00 : f32
    %logistic3A_91 = vector.broadcast %logistic3A_90 : f32 to vector<2000x32xf32>
    %logistic3A_92 = arith.addf %logistic3A_91, %logistic3A_89 : vector<2000x32xf32>
    %logistic3A_93 = arith.divf %logistic3A_91, %logistic3A_92 : vector<2000x32xf32>
    %mul3A_94 = arith.mulf %add3A_87, %logistic3A_93 : vector<2000x32xf32>
    %get3A_95 = arith.constant 0 : index
    %get3A_96 = arith.constant 0 : index
    %get3A_97 = vector.load %arg13[%get3A_95, %get3A_96] : memref<1x32xf32, #tpu.memory_space<vmem>>, vector<1x32xf32>
    %mul3A_98 = vector.broadcast %get3A_97 : vector<1x32xf32> to vector<2000x32xf32>
    %mul3A_99 = arith.mulf %mul3A_94, %mul3A_98 : vector<2000x32xf32>
    %reduce_sum3A_100 = arith.constant dense<0.000000e+00> : vector<2000xf32>
    %reduce_sum3A_101 = vector.multi_reduction <add>, %mul3A_99, %reduce_sum3A_100 [1] : vector<2000x32xf32> to vector<2000xf32>
    %broadcast_in_dim3A_102 = vector.shape_cast %reduce_sum3A_101 : vector<2000xf32> to vector<2000x1xf32>
    %get3A_103 = arith.constant 0 : index
    %get3A_104 = arith.constant 0 : index
    %get3A_105 = vector.load %arg14[%get3A_103, %get3A_104] : memref<1x1xf32, #tpu.memory_space<vmem>>, vector<1x1xf32>
    %add3A_106 = vector.broadcast %get3A_105 : vector<1x1xf32> to vector<2000x1xf32>
    %add3A_107 = arith.addf %broadcast_in_dim3A_102, %add3A_106 : vector<2000x1xf32>
    %logistic3A_108 = arith.negf %add3A_107 : vector<2000x1xf32>
    %logistic3A_109 = math.exp %logistic3A_108 : vector<2000x1xf32>
    %logistic3A_110 = arith.constant 1.000000e+00 : f32
    %logistic3A_111 = vector.broadcast %logistic3A_110 : f32 to vector<2000x1xf32>
    %logistic3A_112 = arith.addf %logistic3A_111, %logistic3A_109 : vector<2000x1xf32>
    %logistic3A_113 = arith.divf %logistic3A_111, %logistic3A_112 : vector<2000x1xf32>
    %mul3A_114 = vector.broadcast %logistic3A_113 : vector<2000x1xf32> to vector<2000x64xf32>
    %mul3A_115 = arith.mulf %mul3A_64, %mul3A_114 : vector<2000x64xf32>
    %swap3A = arith.constant 0 : index
    %swap3A_116 = arith.constant 0 : index
    %swap3A_117 = vector.load %arg15[%swap3A, %swap3A_116] : memref<2000x64xf32, #tpu.memory_space<vmem>>, vector<2000x64xf32>
    tpu.vector_store %arg15[%swap3A, %swap3A_116], %mul3A_115 {strides = array<i32>} : memref<2000x64xf32, #tpu.memory_space<vmem>>, vector<2000x64xf32>,
    return
  }
  func.func @transform_0(%arg0: i32) -> (i32, i32) {
    %c0_i32 = arith.constant 0 : i32
    %c0_i32_0 = arith.constant 0 : i32
    return %arg0, %c0_i32 : i32, i32
  }
  func.func @transform_1(%arg0: i32) -> (i32, i32) {
    %c0_i32 = arith.constant 0 : i32
    %c0_i32_0 = arith.constant 0 : i32
    return %arg0, %c0_i32 : i32, i32
  }
  func.func @transform_2(%arg0: i32) -> (i32, i32) {
    %c0_i32 = arith.constant 0 : i32
    %c0_i32_0 = arith.constant 0 : i32
    return %arg0, %c0_i32 : i32, i32
  }
  func.func @transform_3(%arg0: i32) -> (i32, i32) {
    %c0_i32 = arith.constant 0 : i32
    %c0_i32_0 = arith.constant 0 : i32
    return %arg0, %c0_i32 : i32, i32
  }
  func.func @transform_4(%arg0: i32) -> (i32, i32) {
    %c0_i32 = arith.constant 0 : i32
    %c0_i32_0 = arith.constant 0 : i32
    %c0_i32_1 = arith.constant 0 : i32
    return %c0_i32, %c0_i32_0 : i32, i32
  }
  func.func @transform_5(%arg0: i32) -> (i32, i32) {
    %c0_i32 = arith.constant 0 : i32
    %c0_i32_0 = arith.constant 0 : i32
    %c0_i32_1 = arith.constant 0 : i32
    return %c0_i32, %c0_i32_0 : i32, i32
  }
  func.func @transform_6(%arg0: i32) -> (i32, i32) {
    %c0_i32 = arith.constant 0 : i32
    %c0_i32_0 = arith.constant 0 : i32
    %c0_i32_1 = arith.constant 0 : i32
    return %c0_i32, %c0_i32_0 : i32, i32
  }
  func.func @transform_7(%arg0: i32) -> (i32, i32) {
    %c0_i32 = arith.constant 0 : i32
    %c0_i32_0 = arith.constant 0 : i32
    %c0_i32_1 = arith.constant 0 : i32
    return %c0_i32, %c0_i32_0 : i32, i32
  }
  func.func @transform_8(%arg0: i32) -> (i32, i32) {
    %c0_i32 = arith.constant 0 : i32
    %c0_i32_0 = arith.constant 0 : i32
    %c0_i32_1 = arith.constant 0 : i32
    return %c0_i32, %c0_i32_0 : i32, i32
  }
  func.func @transform_9(%arg0: i32) -> (i32, i32) {
    %c0_i32 = arith.constant 0 : i32
    %c0_i32_0 = arith.constant 0 : i32
    %c0_i32_1 = arith.constant 0 : i32
    return %c0_i32, %c0_i32_0 : i32, i32
  }
  func.func @transform_10(%arg0: i32) -> (i32, i32) {
    %c0_i32 = arith.constant 0 : i32
    %c0_i32_0 = arith.constant 0 : i32
    %c0_i32_1 = arith.constant 0 : i32
    return %c0_i32, %c0_i32_0 : i32, i32
  }
  func.func @transform_11(%arg0: i32) -> (i32, i32) {
    %c0_i32 = arith.constant 0 : i32
    %c0_i32_0 = arith.constant 0 : i32
    %c0_i32_1 = arith.constant 0 : i32
    return %c0_i32, %c0_i32_0 : i32, i32
  }
  func.func @transform_12(%arg0: i32) -> (i32, i32) {
    %c0_i32 = arith.constant 0 : i32
    %c0_i32_0 = arith.constant 0 : i32
    %c0_i32_1 = arith.constant 0 : i32
    return %c0_i32, %c0_i32_0 : i32, i32
  }
  func.func @transform_13(%arg0: i32) -> (i32, i32) {
    %c0_i32 = arith.constant 0 : i32
    %c0_i32_0 = arith.constant 0 : i32
    %c0_i32_1 = arith.constant 0 : i32
    return %c0_i32, %c0_i32_0 : i32, i32
  }
  func.func @transform_14(%arg0: i32) -> (i32, i32) {
    %c0_i32 = arith.constant 0 : i32
    %c0_i32_0 = arith.constant 0 : i32
    return %arg0, %c0_i32 : i32, i32
  }
}

module attributes {stable_mosaic.version = 14 : i64} {
  func.func @_node_body(%arg0: i32, %arg1: memref<1000x128xf32, #tpu.memory_space<vmem>>, %arg2: memref<1000x64xf32, #tpu.memory_space<vmem>>, %arg3: memref<1000x64xf32, #tpu.memory_space<vmem>>, %arg4: memref<128x256xf32, #tpu.memory_space<vmem>>, %arg5: memref<64x256xf32, #tpu.memory_space<vmem>>, %arg6: memref<1x256xf32, #tpu.memory_space<vmem>>, %arg7: memref<256x128xf32, #tpu.memory_space<vmem>>, %arg8: memref<1x128xf32, #tpu.memory_space<vmem>>, %arg9: memref<1x128xf32, #tpu.memory_space<vmem>>, %arg10: memref<1x128xf32, #tpu.memory_space<vmem>>, %arg11: memref<1000x128xf32, #tpu.memory_space<vmem>>) attributes {dimension_semantics = [#tpu.dimension_semantics<arbitrary>], iteration_bounds = array<i64: 10>, scalar_prefetch = 0 : i64, scratch_operands = 0 : i64, tpu.core_type = #tpu.core_type<tc>, window_params = [{transform_indices = @transform_0, window_bounds = array<i64: 1000, 128>}, {transform_indices = @transform_1, window_bounds = array<i64: 1000, 64>}, {transform_indices = @transform_2, window_bounds = array<i64: 1000, 64>}, {pipeline_mode = #tpu.pipeline_mode<synchronous>, transform_indices = @transform_3, window_bounds = array<i64: 128, 256>}, {pipeline_mode = #tpu.pipeline_mode<synchronous>, transform_indices = @transform_4, window_bounds = array<i64: 64, 256>}, {pipeline_mode = #tpu.pipeline_mode<synchronous>, transform_indices = @transform_5, window_bounds = array<i64: 1, 256>}, {pipeline_mode = #tpu.pipeline_mode<synchronous>, transform_indices = @transform_6, window_bounds = array<i64: 256, 128>}, {pipeline_mode = #tpu.pipeline_mode<synchronous>, transform_indices = @transform_7, window_bounds = array<i64: 1, 128>}, {pipeline_mode = #tpu.pipeline_mode<synchronous>, transform_indices = @transform_8, window_bounds = array<i64: 1, 128>}, {pipeline_mode = #tpu.pipeline_mode<synchronous>, transform_indices = @transform_9, window_bounds = array<i64: 1, 128>}, {transform_indices = @transform_10, window_bounds = array<i64: 1000, 128>}]} {
    %get3A = arith.constant 0 : index
    %get3A_0 = arith.constant 0 : index
    %get3A_1 = vector.load %arg1[%get3A, %get3A_0] : memref<1000x128xf32, #tpu.memory_space<vmem>>, vector<1000x128xf32>
    %get3A_2 = arith.constant 0 : index
    %get3A_3 = arith.constant 0 : index
    %get3A_4 = vector.load %arg2[%get3A_2, %get3A_3] : memref<1000x64xf32, #tpu.memory_space<vmem>>, vector<1000x64xf32>
    %get3A_5 = arith.constant 0 : index
    %get3A_6 = arith.constant 0 : index
    %get3A_7 = vector.load %arg3[%get3A_5, %get3A_6] : memref<1000x64xf32, #tpu.memory_space<vmem>>, vector<1000x64xf32>
    %add3A = arith.addf %get3A_4, %get3A_7 : vector<1000x64xf32>
    %get3A_8 = arith.constant 0 : index
    %get3A_9 = arith.constant 0 : index
    %get3A_10 = vector.load %arg4[%get3A_8, %get3A_9] : memref<128x256xf32, #tpu.memory_space<vmem>>, vector<128x256xf32>
    %dot_general3A = arith.constant dense<0.000000e+00> : vector<1000x256xf32>
    %dot_general3A_11 = tpu.matmul %get3A_1, %get3A_10, %dot_general3A {dimension_numbers = #tpu.dot_dimension_numbers<[1], [0], [0], [1], [0, 0, 1, 1], [], []>, precision = #tpu.contract_precision<fp32>, transpose_lhs_hint = false} : vector<1000x128xf32>, vector<128x256xf32>, vector<1000x256xf32> -> vector<1000x256xf32>
    %get3A_12 = arith.constant 0 : index
    %get3A_13 = arith.constant 0 : index
    %get3A_14 = vector.load %arg5[%get3A_12, %get3A_13] : memref<64x256xf32, #tpu.memory_space<vmem>>, vector<64x256xf32>
    %dot_general3A_15 = arith.constant dense<0.000000e+00> : vector<1000x256xf32>
    %dot_general3A_16 = tpu.matmul %add3A, %get3A_14, %dot_general3A_15 {dimension_numbers = #tpu.dot_dimension_numbers<[1], [0], [0], [1], [0, 0, 1, 1], [], []>, precision = #tpu.contract_precision<fp32>, transpose_lhs_hint = false} : vector<1000x64xf32>, vector<64x256xf32>, vector<1000x256xf32> -> vector<1000x256xf32>
    %add3A_17 = arith.addf %dot_general3A_11, %dot_general3A_16 : vector<1000x256xf32>
    %get3A_18 = arith.constant 0 : index
    %get3A_19 = arith.constant 0 : index
    %get3A_20 = vector.load %arg6[%get3A_18, %get3A_19] : memref<1x256xf32, #tpu.memory_space<vmem>>, vector<1x256xf32>
    %add3A_21 = vector.broadcast %get3A_20 : vector<1x256xf32> to vector<1000x256xf32>
    %add3A_22 = arith.addf %add3A_17, %add3A_21 : vector<1000x256xf32>
    %logistic3A = arith.negf %add3A_22 : vector<1000x256xf32>
    %logistic3A_23 = math.exp %logistic3A : vector<1000x256xf32>
    %logistic3A_24 = arith.constant 1.000000e+00 : f32
    %logistic3A_25 = vector.broadcast %logistic3A_24 : f32 to vector<1000x256xf32>
    %logistic3A_26 = arith.addf %logistic3A_25, %logistic3A_23 : vector<1000x256xf32>
    %logistic3A_27 = arith.divf %logistic3A_25, %logistic3A_26 : vector<1000x256xf32>
    %mul3A = arith.mulf %add3A_22, %logistic3A_27 : vector<1000x256xf32>
    %get3A_28 = arith.constant 0 : index
    %get3A_29 = arith.constant 0 : index
    %get3A_30 = vector.load %arg7[%get3A_28, %get3A_29] : memref<256x128xf32, #tpu.memory_space<vmem>>, vector<256x128xf32>
    %dot_general3A_31 = arith.constant dense<0.000000e+00> : vector<1000x128xf32>
    %dot_general3A_32 = tpu.matmul %mul3A, %get3A_30, %dot_general3A_31 {dimension_numbers = #tpu.dot_dimension_numbers<[1], [0], [0], [1], [0, 0, 1, 1], [], []>, precision = #tpu.contract_precision<fp32>, transpose_lhs_hint = false} : vector<1000x256xf32>, vector<256x128xf32>, vector<1000x128xf32> -> vector<1000x128xf32>
    %add3A_33 = arith.addf %get3A_1, %dot_general3A_32 : vector<1000x128xf32>
    %get3A_34 = arith.constant 0 : index
    %get3A_35 = arith.constant 0 : index
    %get3A_36 = vector.load %arg8[%get3A_34, %get3A_35] : memref<1x128xf32, #tpu.memory_space<vmem>>, vector<1x128xf32>
    %add3A_37 = vector.broadcast %get3A_36 : vector<1x128xf32> to vector<1000x128xf32>
    %add3A_38 = arith.addf %add3A_33, %add3A_37 : vector<1000x128xf32>
    %reduce_sum3A = arith.constant dense<0.000000e+00> : vector<1000xf32>
    %reduce_sum3A_39 = vector.multi_reduction <add>, %add3A_38, %reduce_sum3A [1] : vector<1000x128xf32> to vector<1000xf32>
    %broadcast_in_dim3A = vector.shape_cast %reduce_sum3A_39 : vector<1000xf32> to vector<1000x1xf32>
    %div3A = arith.constant 1.280000e+02 : f32
    %div3A_40 = vector.broadcast %div3A : f32 to vector<1000x1xf32>
    %div3A_41 = arith.divf %broadcast_in_dim3A, %div3A_40 : vector<1000x1xf32>
    %sub3A = vector.broadcast %div3A_41 : vector<1000x1xf32> to vector<1000x128xf32>
    %sub3A_42 = arith.subf %add3A_38, %sub3A : vector<1000x128xf32>
    %mul3A_43 = arith.mulf %sub3A_42, %sub3A_42 : vector<1000x128xf32>
    %reduce_sum3A_44 = arith.constant dense<0.000000e+00> : vector<1000xf32>
    %reduce_sum3A_45 = vector.multi_reduction <add>, %mul3A_43, %reduce_sum3A_44 [1] : vector<1000x128xf32> to vector<1000xf32>
    %broadcast_in_dim3A_46 = vector.shape_cast %reduce_sum3A_45 : vector<1000xf32> to vector<1000x1xf32>
    %div3A_47 = arith.constant 1.280000e+02 : f32
    %div3A_48 = vector.broadcast %div3A_47 : f32 to vector<1000x1xf32>
    %div3A_49 = arith.divf %broadcast_in_dim3A_46, %div3A_48 : vector<1000x1xf32>
    %add3A_50 = arith.constant 9.99999974E-6 : f32
    %add3A_51 = vector.broadcast %add3A_50 : f32 to vector<1000x1xf32>
    %add3A_52 = arith.addf %div3A_49, %add3A_51 : vector<1000x1xf32>
    %rsqrt3A = math.rsqrt %add3A_52 : vector<1000x1xf32>
    %mul3A_53 = vector.broadcast %rsqrt3A : vector<1000x1xf32> to vector<1000x128xf32>
    %mul3A_54 = arith.mulf %sub3A_42, %mul3A_53 : vector<1000x128xf32>
    %get3A_55 = arith.constant 0 : index
    %get3A_56 = arith.constant 0 : index
    %get3A_57 = vector.load %arg9[%get3A_55, %get3A_56] : memref<1x128xf32, #tpu.memory_space<vmem>>, vector<1x128xf32>
    %mul3A_58 = vector.broadcast %get3A_57 : vector<1x128xf32> to vector<1000x128xf32>
    %mul3A_59 = arith.mulf %mul3A_54, %mul3A_58 : vector<1000x128xf32>
    %get3A_60 = arith.constant 0 : index
    %get3A_61 = arith.constant 0 : index
    %get3A_62 = vector.load %arg10[%get3A_60, %get3A_61] : memref<1x128xf32, #tpu.memory_space<vmem>>, vector<1x128xf32>
    %add3A_63 = vector.broadcast %get3A_62 : vector<1x128xf32> to vector<1000x128xf32>
    %add3A_64 = arith.addf %mul3A_59, %add3A_63 : vector<1000x128xf32>
    %swap3A = arith.constant 0 : index
    %swap3A_65 = arith.constant 0 : index
    %swap3A_66 = vector.load %arg11[%swap3A, %swap3A_65] : memref<1000x128xf32, #tpu.memory_space<vmem>>, vector<1000x128xf32>
    tpu.vector_store %arg11[%swap3A, %swap3A_65], %add3A_64 {strides = array<i32>} : memref<1000x128xf32, #tpu.memory_space<vmem>>, vector<1000x128xf32>,
    return
  }
  func.func @transform_0(%arg0: i32) -> (i32, i32) {
    %c0_i32 = arith.constant 0 : i32
    %c0_i32_0 = arith.constant 0 : i32
    return %arg0, %c0_i32 : i32, i32
  }
  func.func @transform_1(%arg0: i32) -> (i32, i32) {
    %c0_i32 = arith.constant 0 : i32
    %c0_i32_0 = arith.constant 0 : i32
    return %arg0, %c0_i32 : i32, i32
  }
  func.func @transform_2(%arg0: i32) -> (i32, i32) {
    %c0_i32 = arith.constant 0 : i32
    %c0_i32_0 = arith.constant 0 : i32
    return %arg0, %c0_i32 : i32, i32
  }
  func.func @transform_3(%arg0: i32) -> (i32, i32) {
    %c0_i32 = arith.constant 0 : i32
    %c0_i32_0 = arith.constant 0 : i32
    %c0_i32_1 = arith.constant 0 : i32
    return %c0_i32, %c0_i32_0 : i32, i32
  }
  func.func @transform_4(%arg0: i32) -> (i32, i32) {
    %c0_i32 = arith.constant 0 : i32
    %c0_i32_0 = arith.constant 0 : i32
    %c0_i32_1 = arith.constant 0 : i32
    return %c0_i32, %c0_i32_0 : i32, i32
  }
  func.func @transform_5(%arg0: i32) -> (i32, i32) {
    %c0_i32 = arith.constant 0 : i32
    %c0_i32_0 = arith.constant 0 : i32
    %c0_i32_1 = arith.constant 0 : i32
    return %c0_i32, %c0_i32_0 : i32, i32
  }
  func.func @transform_6(%arg0: i32) -> (i32, i32) {
    %c0_i32 = arith.constant 0 : i32
    %c0_i32_0 = arith.constant 0 : i32
    %c0_i32_1 = arith.constant 0 : i32
    return %c0_i32, %c0_i32_0 : i32, i32
  }
  func.func @transform_7(%arg0: i32) -> (i32, i32) {
    %c0_i32 = arith.constant 0 : i32
    %c0_i32_0 = arith.constant 0 : i32
    %c0_i32_1 = arith.constant 0 : i32
    return %c0_i32, %c0_i32_0 : i32, i32
  }
  func.func @transform_8(%arg0: i32) -> (i32, i32) {
    %c0_i32 = arith.constant 0 : i32
    %c0_i32_0 = arith.constant 0 : i32
    %c0_i32_1 = arith.constant 0 : i32
    return %c0_i32, %c0_i32_0 : i32, i32
  }
  func.func @transform_9(%arg0: i32) -> (i32, i32) {
    %c0_i32 = arith.constant 0 : i32
    %c0_i32_0 = arith.constant 0 : i32
    %c0_i32_1 = arith.constant 0 : i32
    return %c0_i32, %c0_i32_0 : i32, i32
  }
  func.func @transform_10(%arg0: i32) -> (i32, i32) {
    %c0_i32 = arith.constant 0 : i32
    %c0_i32_0 = arith.constant 0 : i32
    return %arg0, %c0_i32 : i32, i32
  }
}

</mosaic_0001>

<sc_bundles>
// kernel: kernel.10.cloned.1.call-start
scs
__scs_entry_jumppad:
0x0: {  	(pc) =	sbr.rel $0x88, $3  }
0x1: {  	(tag) =	ssettag $0x0;
	lr =	simm.s32 $0x1  }
0x2: {  	[smem:$0x3F8E] =	sst lr;
	_ =	strace $0xD0000000  }
0x3: {  	_ = 	snop  }
0x4: {  	_ = 	snop  }
0x5: {  	_ = 	snop  }
0x6: {  	_ = 	snop  }
0x7: {  	_ = 	snop  }
__scs_overlays_trampoline_lowered:
0x8: {  	[smem:$0x3F9D] =	sst s0  }
0x9: {  	[smem:$0x3F9E] =	sst s1  }
0xa: {  	[smem:$0x3F9F] =	sst s2  }
0xb: {  	[smem:$0x3FA0] =	sst s3  }
0xc: {  	[smem:$0x3FA1] =	sst s4  }
0xd: {  	[smem:$0x3FA2] =	sst s5  }
0xe: {  	[smem:$0x3FA3] =	sst s6  }
0xf: {  	[smem:$0x3FA4] =	sst s7  }
0x10: {  	[smem:$0x3FA5] =	sst s8  }
0x11: {  	[smem:$0x3FA6] =	sst s9;
	s0 =	simm.s32 @!p0 $0x0  }
0x12: {  	s1 =	sld [smem:$0x3F8C];
	s0 =	simm.s32 @p0 $0x1  }
0x13: {  	[smem:$0x3FA7] =	sst s0;
	s0 =	simm.s32 @!p1 $0x0  }
0x14: {  	s2 =	sld [smem:$0x3F8B];
	s0 =	simm.s32 @p1 $0x1  }
0x15: {  	[smem:$0x3FA8] =	sst s0;
	s0 =	simm.s32 @!p2 $0x0  }
0x16: {  	s3 =	sld [smem:$0x3FDB];
	s0 =	simm.s32 @p2 $0x1  }
0x17: {  	s4 =	simm.s32 $0x1BF5;
	[smem:$0x3FAA] =	sst s0  }
0x18: {  	s0 =	sld [smem:$0x3F8D];
	_ =	swait.ge [sflag:s4], $0x0  }
0x19: {  	s7 =	sld [smem:$0x3F8E]  }
0x1a: {  	s8 =	sadd.s32 $0xFFFFE003, lr  }
0x1b: {  	s9 =	sadd.s32 $0xFFFFFEF7, lr;
	s5 =	simm.s32 $0xFFFFFFFF;
	p2 =	slt.u32 s8, $0xFFFFF086  }
0x1c: {  	p1 =	slt.u32 s9, $0xF7A;
	s5 =	simm.s32 @!p2 $0x0  }
0x1d: {  	s5 =	simm.s32 @p1 $0x1;
	p0 =	seq.s32 s7, s2  }
0x1e: {  	s7 =	smul.u32 @!p0 $0xF7A, s2;
	p2 =	seq.s32 @!p0 s5, $0x0  }
0x1f: {  	s9 =	smul.u32 $0xF7A, s1;
	s8 =	simm.s32 @!p0 $0x1BF5;
	p2 =	por !p2, p0  }
0x20: {  	[sflag:s8] =	ssyncset.s32 @!p0 $0xFFFFF086;
	s6 =	sadd.s32 @!p0 s3, s7;
	s7 =	simm.s32 @!p0 $0x108  }
0x21: {  	s3 =	sadd.s32 s3, s9;
	s6 =	sadd.s32 @!p0 $0x88, s6;
	s7 =	simm.s32 @p2 $0x1082  }
0x22: {  	[simem:s7], [sflag:s8] =	dma.local @!p0 [hbm:s6], $0xF7A  }
0x23: {  	s9 =	sor.u32 $0xD0000000, s2;
	s6 =	simm.s32 $0x108;
	_ =	swait.ge @!p0 [sflag:s8], $0x0  }
0x24: {  	s3 =	sadd.s32 $0x88, s3;
	s6 =	simm.s32 @!p1 $0x1082;
	[sflag:s4] =	ssyncset.s32 $0xFFFFF086  }
0x25: {  	[simem:s6], [sflag:s4] =	dma.local [hbm:s3], $0xF7A  }
0x26: {  	[smem:$0x3F8E] =	sst s1;
	(tag) =	ssettag s2;
	_ =	strace s9  }
0x27: {  	s1 =	sld [smem:$0x3F9E]  }
0x28: {  	s2 =	sld [smem:$0x3F9F]  }
0x29: {  	s4 =	sld [smem:$0x3FA1]  }
0x2a: {  	p0 =	seq.s32 s5, $0x0;
	s5 =	sld [smem:$0x3FA2]  }
0x2b: {  	s6 =	sld [smem:$0x3FA3]  }
0x2c: {  	s7 =	sld [smem:$0x3FA4]  }
0x2d: {  	s3 =	simm.s32 $0x108;
	s8 =	sld [smem:$0x3FA5]  }
0x2e: {  	s3 =	simm.s32 @!p0 $0x1082;
	s9 =	sld [smem:$0x3FA6]  }
0x2f: {  	lr =	sadd.s32 s0, s3;
	s0 =	sld [smem:$0x3F9D]  }
0x30: {  	s3 =	sld [smem:$0x3FA0]  }
0x31: {  	[smem:$0x3FA9] =	sst s10  }
0x32: {  	s10 =	sld [smem:$0x3FA7];
	_ =	sdelay $0x3  }
0x33: {  	p0 =	seq.s32 s10, $0x1;
	s10 =	sld [smem:$0x3FA9];
	_ =	sdelay $0x3  }
0x34: {  	[smem:$0x3FA9] =	sst s10  }
0x35: {  	s10 =	sld [smem:$0x3FA8];
	_ =	sdelay $0x3  }
0x36: {  	p1 =	seq.s32 s10, $0x1;
	s10 =	sld [smem:$0x3FA9];
	_ =	sdelay $0x3  }
0x37: {  	[smem:$0x3FA9] =	sst s10  }
0x38: {  	s10 =	sld [smem:$0x3FAA]  }
0x39: {  	_ = 	snop;
	(pc) =	sbr.ind lr, $3  }
0x3a: {  	_ = 	snop  }
0x3b: {  	_ = 	snop  }
0x3c: {  	p2 =	seq.s32 s10, $0x1;
	s10 =	sld [smem:$0x3FA9]  }
0x3d: {  	_ =	shalt  }
0x3e: {  	_ =	shalt  }
0x3f: {  	_ =	shalt  }
0x40: {  	_ =	shalt  }
0x41: {  	_ =	shalt  }
0x42: {  	_ =	shalt  }
0x43: {  	_ =	shalt  }
0x44: {  	_ =	shalt  }
0x45: {  	_ =	shalt  }
0x46: {  	_ =	shalt  }
0x47: {  	_ =	shalt  }
0x48: {  	_ =	shalt  }
0x49: {  	_ =	shalt  }
0x4a: {  	_ =	shalt  }
0x4b: {  	_ =	shalt  }
0x4c: {  	_ =	shalt  }
0x4d: {  	_ =	shalt  }
0x4e: {  	_ =	shalt  }
0x4f: {  	_ =	shalt  }
0x50: {  	_ =	shalt  }
0x51: {  	_ =	shalt  }
0x52: {  	_ =	shalt  }
0x53: {  	_ =	shalt  }
0x54: {  	_ =	shalt  }
0x55: {  	_ =	shalt  }
0x56: {  	_ =	shalt  }
0x57: {  	_ =	shalt  }
0x58: {  	_ =	shalt  }
0x59: {  	_ =	shalt  }
0x5a: {  	_ =	shalt  }
0x5b: {  	_ =	shalt  }
0x5c: {  	_ =	shalt  }
0x5d: {  	_ =	shalt  }
0x5e: {  	_ =	shalt  }
0x5f: {  	_ =	shalt  }
0x60: {  	_ =	shalt  }
0x61: {  	_ =	shalt  }
0x62: {  	_ =	shalt  }
0x63: {  	_ =	shalt  }
0x64: {  	_ =	shalt  }
0x65: {  	_ =	shalt  }
0x66: {  	_ =	shalt  }
0x67: {  	_ =	shalt  }
0x68: {  	_ =	shalt  }
0x69: {  	_ =	shalt  }
0x6a: {  	_ =	shalt  }
0x6b: {  	_ =	shalt  }
0x6c: {  	_ =	shalt  }
0x6d: {  	_ =	shalt  }
0x6e: {  	_ =	shalt  }
0x6f: {  	_ =	shalt  }
0x70: {  	_ =	shalt  }
0x71: {  	_ =	shalt  }
0x72: {  	_ =	shalt  }
0x73: {  	_ =	shalt  }
0x74: {  	_ =	shalt  }
0x75: {  	_ =	shalt  }
0x76: {  	_ =	shalt  }
0x77: {  	_ =	shalt  }
0x78: {  	_ =	shalt  }
0x79: {  	_ =	shalt  }
0x7a: {  	_ =	shalt  }
0x7b: {  	_ =	shalt  }
0x7c: {  	_ =	shalt  }
0x7d: {  	_ =	shalt  }
0x7e: {  	_ =	shalt  }
0x7f: {  	_ =	shalt  }
0x80: {  	_ =	shalt  }
0x81: {  	_ =	shalt  }
0x82: {  	_ =	shalt  }
0x83: {  	_ =	shalt  }
0x84: {  	_ =	shalt  }
0x85: {  	_ =	shalt  }
0x86: {  	_ =	shalt  }
0x87: {  	_ =	shalt  }
.Lfunc_end0:
.L_simem_size_0:
called_computation.1_lowered:
.L_overlay_start_0:
0x88: {  	s2 =	sld [smem:$0x3FD9]  }
0x89: {  	s3 =	sld [smem:$0x3FFE];
	_ =	sdelay $0x1  }
0x8a: {  	s1 =	srdreg.scid  }
0x8b: {  	s0 =	sand.u32 $0x1, s1  }
0x8c: {  	s17 =	sshll.u32 s0, $0xA;
	s2 =	sadd.s32 s3, s2  }
0x8d: {  	s2 =	sadd.s32 s2, s17  }
0x8e: {  	[smem:$0x3FB5] =	sst s2  }
0x8f: {  	_ = 	snop  }
0x90: {  	s2 =	sld [smem:$0x3FD0];
	(tm) =	ssettm $0x1  }
0x91: {  	s18 =	sld [smem:$0x3FFB];
	_ =	sdelay $0x3  }
0x92: {  	_ =	strace s18  }
0x93: {  	s3 =	sld [smem:$0x3FFC];
	_ =	sdelay $0x3  }
0x94: {  	_ =	strace s3  }
0x95: {  	s3 =	sld [smem:$0x3FFD];
	_ =	sdelay $0x3  }
0x96: {  	_ =	strace s3  }
0x97: {  	_ =	strace $0x8FFFFFFF  }
0x98: {  	s19 =	sld [smem:$0x3FDB];
	_ =	sdelay $0x1  }
0x99: {  	s4 =	simm.s32 $_scs_section_size  }
0x9a: {  	s5 =	simm.s32 $_size__tile_overlayer_lowered;
	s6 =	simm.s32 $_tile_overlayer_lowered  }
0x9b: {  	s22 =	simm.s32 $0x1BFF;
	s21 =	sshll.u32 s6, $0x1;
	s3 =	sadd.s32 s4, s19  }
0x9c: {  	s7 =	simm.s32 $0x0;
	s20 =	sshll.u32 s5, $0x1;
	s5 =	sadd.s32 s21, s3  }
0x9d: {  	[timem:s7], [sflag:s22] =	dma.local [hbm:s5], s20  }
0x9e: {  	_ =	swait.ge [sflag:s22], s20  }
0x9f: {  	s4 =	ssub.s32 $0x0, s20;
	[sflag:s22] =	ssyncset.done $0x0  }
0xa0: {  	[sflag:s22] =	ssyncadd.s32 s4;
	_ =	sdelay $0x1  }
0xa1: {  	s23 =	simm.s32 $0x1B8B  }
0xa2: {  	_ =	swait.ge [sflag:s23], $0x1  }
0xa3: {  	[sflag:s23] =	ssyncset.done $0x0  }
0xa4: {  	s25 =	simm.s32 $0x1B8E;
	s24 =	sld [smem:$0x3FFE];
	[sflag:s23] =	ssyncadd.s32 $0xFFFFFFFF  }
0xa5: {  	s26 =	simm.s32 $execute0_lowered;
	[smem:$0x3FD2] =	sst s25  }
0xa6: {  	s5 =	sshll.u32 s26, $0x1;
	_ =	strace $0x80000049;
	[dreg:$0x1] =	wrdreg $0xFFFFFFFF  }
0xa7: {  	s28 =	simm.s32 $_size_execute0_lowered;
	s3 =	sadd.s32 s3, s5;
	[dreg:$0x0] =	wrdreg $0x0  }
0xa8: {  	s5 =	sshll.u32 s28, $0x1;
	[dreg:$0x2] =	wrdreg s3  }
0xa9: {  	[dreg:$0x3] =	wrdreg s5  }
0xaa: {  	[dreg:$0x4] =	wrdreg $0xC0  }
0xab: {  	_ =	task [dreg:s7], $0x5FFFF  }
0xac: {  	[dreg:$0x1] =	wrdreg $0xFFFFFFFF  }
0xad: {  	[dreg:$0x0] =	wrdreg $0x60  }
0xae: {  	[dreg:$0x2] =	wrdreg s24  }
0xaf: {  	[dreg:$0x3] =	wrdreg s2  }
0xb0: {  	[dreg:$0x4] =	wrdreg $0x8B100  }
0xb1: {  	[dreg:$0x5] =	wrdreg $0x9  }
0xb2: {  	_ =	task.clear_ibuf [dreg:s7], $0x6FFFF;
	_ =	strace $0x90000049  }
0xb3: {  	s29 =	simm.s32 $0x9;
	_ =	strace $0x8000004B  }
0xb4: {  	_ =	swait.ge [sflag:s29], $0x1  }
0xb5: {  	[sflag:s29] =	ssyncadd.s32 $0xFFFFFFFF  }
0xb6: {  	_ =	strace $0x9000004B  }
0xb7: {  	_ =	sfence  }
0xb8: {  	s30 =	sld [smem:$0x0];
	_ =	sdelay $0x2  }
0xb9: {  	s31 =	sshll.u32 s1, $0xD;
	s1 =	sshrl.u32 s1, $0x2  }
0xba: {  	s3 =	sand.u32 $0x4000, s31;
	s1 =	sadd.s32 s1, s30  }
0xbb: {  	s0 =	sor.u32 s3, s0;
	s1 =	sshll.u32 s1, $0x11  }
0xbc: {  	s0 =	sor.u32 s1, s0  }
0xbd: {  	s0 =	sadd.s32 $0x8F2B, s0  }
0xbe: {  	[sflag:s0] =	ssyncadd.remote.s32 $0x1  }
0xbf: {  	_ =	sfence.sel $0xFFFF  }
0xc0: {  	[dreg:$0x0] =	wrdreg $0xFFFFFFFF;
	(pc) =	sbr.abs _section_cstart, $3  }
0xc1: {  	[dreg:$0x1] =	wrdreg $0xFFFFFFFF  }
0xc2: {  	_ =	task.clear_ibuf [dreg:s7], $0x2FFFF;
	_ =	strace $0x9FFFFFFF  }
0xc3: {  	(tm) =	ssettm $0x7FFFFFFF  }
tec
execute0_lowered:
.L_overlay_start_1:
0x0: {  	(tag) =	ssettag $0x1  }
0x1: {  	s3 =	rddreg [dreg:$0x0]  }
0x2: {  	s5 =	rddreg [dreg:$0x1]  }
0x3: {  	s1 =	rddreg [dreg:$0x2];
	s8 =	stileid.u32  }
0x4: {  	s2 =	srdreg.scid;
	s0 =	rddreg [dreg:$0x3];
	s12 =	simm.s32 $0x3B10  }
0x5: {  	s13 =	simm.s32 $0x4F10;
	s14 =	simm.s32 $0x6310;
	s15 =	simm.s32 $0x7710  }
0x6: {  	s16 =	simm.s32 $0x0;
	s4 =	sand.u32 $0x1, s2;
	s6 =	sshll.u32 s8, $0x1  }
0x7: {  	s2 =	simm.s32 $0x0;
	s7 =	smul.u32 $0x27100, s8;
	p0 =	sne.s32 s8, $0x0  }
0x8: {  	s6 =	sor.u32 s4, s6;
	[smem:$0x7FF] =	sst s2;
	s11 =	smul.u32 $0x13880, s4  }
0x9: {  	s9 =	ssub.s32 $0x2, s4;
	s8 =	sshrl.u32 @!p0 s1, $0x3;
	s6 =	smul.u32 $0x2710, s6  }
0xa: {  	_ =	strace $0x8000004A;
	s7 =	sadd.s32 s7, s3;
	s10 =	sshrl.u32 s9, $0x1  }
0xb: {  	s31 =	ssub.s32 s9, s10;
	s5 =	sadd.s32 s5, s11;
	s7 =	sadd.s32 s11, s7  }
0xc: {  	s9 =	simm.s32 $0x1;
	s10 =	simm.s32 $0x2710;
	s6 =	sshrl.u32 s6, $0x3  }
0xd: {  	s11 =	simm.s32 $0x50;
	s7 =	sadd.s32 $0x513000, s7;
	s30 =	sadd.s32 s6, s3  }
0xe: {  	s3 =	sadd.s32 $0x4C00, s3;
	s6 =	smax.u32 s31, $0x1;
	s4 =	sadd.s32 $0x27200, s30  }
.LBB2_1:
0xf: {  	s17 =	simm.s32 @!p0 $0x1C01  }
0x10: {  	[spmem:s8], [sflag:s17] =	dma.local @!p0 [hbm:s3], $0x13880  }
0x11: {  	s17 =	simm.s32 @!p0 $0x1  }
0x12: {  	_ =	swait.ge @!p0 [sflag:s17], $0x13880  }
0x13: {  	[sflag:s17] =	ssyncset.done @!p0 $0x0  }
0x14: {  	[sflag:s17] =	ssyncadd.s32 @!p0 $0xFFFEC780  }
0x15: {  	[tilespmem:s2], [sflag:$0x1] =	stream.linear.gather [hbm4b:s4+s2], $0x2710, $0x38;
	[tilespmem:$0x12750] =	vst v63  }
0x16: {  	_ =	swait.ge [sflag:s9], $0x2710  }
0x17: {  	[sflag:s9] =	ssyncset.done $0x0  }
0x18: {  	[sflag:s9] =	ssyncadd.s32 $0xFFFFD8F0  }
0x19: {  	[bflag:$0x0] =	sbarrier.arrive $0xFFFF  }
0x1a: {  	[tilespmem:s10], [sflag:$0x1] =	stream.linear.gather [hbm4b:s7+s2], $0x6400, $0x38;
	[tilespmem:$0x12750] =	vst v63  }
0x1b: {  	_ =	swait.ge [sflag:s9], $0x6400  }
0x1c: {  	[sflag:s9] =	ssyncset.done $0x0  }
0x1d: {  	s26 =	simm.s32 $0x0;
	[sflag:s9] =	ssyncadd.s32 $0xFFFF9C00  }
0x1e: {  	[spmem:s1] =	stream.indirect.scatter.add.f32 [tilespmem:s10], [sflag:$0x1], $0x40, s26, s11, $0xb8;
	[tilespmem:$0x12750] =	vst v63  }
0x1f: {  	_ =	swait.ge [sflag:s9], $0x1400  }
0x20: {  	[sflag:s9] =	ssyncset.done $0x0  }
0x21: {  	s28 =	simm.s32 $0x50;
	[sflag:s9] =	ssyncadd.s32 $0xFFFFEC00  }
0x22: {  	[spmem:s1] =	stream.indirect.scatter.add.f32 [tilespmem:s12], [sflag:$0x1], $0x40, s28, s11, $0xb8;
	[tilespmem:$0x12750] =	vst v63  }
0x23: {  	_ =	swait.ge [sflag:s9], $0x1400  }
0x24: {  	[sflag:s9] =	ssyncset.done $0x0  }
0x25: {  	s29 =	simm.s32 $0xA0;
	[sflag:s9] =	ssyncadd.s32 $0xFFFFEC00  }
0x26: {  	[spmem:s1] =	stream.indirect.scatter.add.f32 [tilespmem:s13], [sflag:$0x1], $0x40, s29, s11, $0xb8;
	[tilespmem:$0x12750] =	vst v63  }
0x27: {  	_ =	swait.ge [sflag:s9], $0x1400  }
0x28: {  	[sflag:s9] =	ssyncset.done $0x0  }
0x29: {  	s30 =	simm.s32 $0xF0;
	[sflag:s9] =	ssyncadd.s32 $0xFFFFEC00  }
0x2a: {  	[spmem:s1] =	stream.indirect.scatter.add.f32 [tilespmem:s14], [sflag:$0x1], $0x40, s30, s11, $0xb8;
	[tilespmem:$0x12750] =	vst v63  }
0x2b: {  	_ =	swait.ge [sflag:s9], $0x1400  }
0x2c: {  	[sflag:s9] =	ssyncset.done $0x0  }
0x2d: {  	s31 =	simm.s32 $0x140;
	[sflag:s9] =	ssyncadd.s32 $0xFFFFEC00  }
0x2e: {  	[spmem:s1] =	stream.indirect.scatter.add.f32 [tilespmem:s15], [sflag:$0x1], $0x40, s31, s11, $0xb8;
	[tilespmem:$0x12750] =	vst v63  }
0x2f: {  	_ =	swait.ge [sflag:s9], $0x1400  }
0x30: {  	s18 =	smov.u32 s7;
	s17 =	simm.s32 $0x640;
	[sflag:s9] =	ssyncset.done $0x0  }
.LBB2_2:
0x31: {  	p1 =	sne.s32 s17, $0x9600;
	[sflag:s9] =	ssyncadd.s32 $0xFFFFEC00;
	s18 =	sadd.s32 $0xC80, s18  }
0x32: {  	[tilespmem:s10], [sflag:$0x1] =	stream.linear.gather [hbm4b:s18+s2], $0x6400, $0x38;
	[tilespmem:$0x12750] =	vst v63  }
0x33: {  	s19 =	smov.u32 s17;
	s17 =	sadd.s32 $0x640, s17;
	_ =	swait.ge [sflag:s9], $0x6400  }
0x34: {  	[sflag:s9] =	ssyncset.done $0x0  }
0x35: {  	s19 =	sshra.s32 s19, $0x2;
	[sflag:s9] =	ssyncadd.s32 $0xFFFF9C00  }
0x36: {  	[spmem:s1] =	stream.indirect.scatter.add.f32 [tilespmem:s10], [sflag:$0x1], $0x40, s19, s11, $0xb8;
	[tilespmem:$0x12750] =	vst v63  }
0x37: {  	_ =	swait.ge [sflag:s9], $0x1400  }
0x38: {  	[sflag:s9] =	ssyncset.done $0x0  }
0x39: {  	s20 =	sadd.s32 $0x50, s19;
	[sflag:s9] =	ssyncadd.s32 $0xFFFFEC00  }
0x3a: {  	[spmem:s1] =	stream.indirect.scatter.add.f32 [tilespmem:s12], [sflag:$0x1], $0x40, s20, s11, $0xb8;
	[tilespmem:$0x12750] =	vst v63  }
0x3b: {  	_ =	swait.ge [sflag:s9], $0x1400  }
0x3c: {  	[sflag:s9] =	ssyncset.done $0x0  }
0x3d: {  	s20 =	sadd.s32 $0xA0, s19;
	[sflag:s9] =	ssyncadd.s32 $0xFFFFEC00  }
0x3e: {  	[spmem:s1] =	stream.indirect.scatter.add.f32 [tilespmem:s13], [sflag:$0x1], $0x40, s20, s11, $0xb8;
	[tilespmem:$0x12750] =	vst v63  }
0x3f: {  	_ =	swait.ge [sflag:s9], $0x1400  }
0x40: {  	[sflag:s9] =	ssyncset.done $0x0  }
0x41: {  	s20 =	sadd.s32 $0xF0, s19;
	[sflag:s9] =	ssyncadd.s32 $0xFFFFEC00  }
0x42: {  	[spmem:s1] =	stream.indirect.scatter.add.f32 [tilespmem:s14], [sflag:$0x1], $0x40, s20, s11, $0xb8;
	[tilespmem:$0x12750] =	vst v63  }
0x43: {  	_ =	swait.ge [sflag:s9], $0x1400  }
.Ltmp0:
0x44: {  	[sflag:s9] =	ssyncset.done $0x0;
	(pc) =	sbr.rel @p1 .LBB2_2-.Ltmp0, $4  }
0x45: {  	s19 =	sadd.s32 $0x140, s19;
	[sflag:s9] =	ssyncadd.s32 $0xFFFFEC00  }
0x46: {  	[spmem:s1] =	stream.indirect.scatter.add.f32 [tilespmem:s15], [sflag:$0x1], $0x40, s19, s11, $0xb8;
	[tilespmem:$0x12750] =	vst v63  }
0x47: {  	_ =	swait.ge [sflag:s9], $0x1400  }
0x48: {  	[sflag:s9] =	ssyncset.done $0x0  }
0x49: {  	[sflag:s9] =	ssyncadd.s32 $0xFFFFEC00;
	s16 =	sadd.s32 $0x1, s16  }
0x4a: {  	s17 =	simm.s32 @!p0 $0x1C01;
	[bflag:$0x0] =	sbarrier.arrive $0xFFFF;
	p1 =	sne.s32 s16, s6  }
0x4b: {  	[hbm:s5], [sflag:s17] =	dma.local @!p0 [spmem:s8], $0x13880  }
.Ltmp1:
0x4c: {  	_ = 	snop;
	(pc) =	sbr.rel @p1 .LBB2_1-.Ltmp1, $4  }
0x4d: {  	s17 =	simm.s32 @!p0 $0x1  }
0x4e: {  	_ =	swait.ge @!p0 [sflag:s17], $0x13880  }
0x4f: {  	[sflag:s17] =	ssyncset.done @!p0 $0x0  }
0x50: {  	[sflag:s17] =	ssyncadd.s32 @!p0 $0xFFFEC780  }
0x51: {  	_ =	sfence.sel $0x180000  }
0x52: {  	[bflag:$0x0] =	sbarrier.arrive $0xFFFF  }
0x53: {  	_ =	strace $0x9000004A  }
0x54: {  	s0 =	sadd.s32 @!p0 $0x100000, s0;
	[bflag:$0x2] =	sbarrier.arrive $0xFFFF  }
0x55: {  	[sflag:s0] =	ssyncadd.tile.s32 @!p0 $0x1;
	_ =	shalt  }
.Lfunc_end2:
_tile_overlayer_lowered:
.L_overlay_start_2:
0x56: {  	(tag) =	ssettag $0x2  }
0x57: {  	s0 =	rddreg [dreg:$0x0];
	s2 =	stileid.u32  }
0x58: {  	s1 =	rddreg [dreg:$0x1];
	p0 =	sne.s32 s2, $0x0  }
0x59: {  	s3 =	rddreg [dreg:$0x2];
	[bflag:$0x3] =	sbarrier.arrive $0xFFFF;
	s2 =	simm.s32 @!p0 $0x1C01  }
0x5a: {  	[timem:s3], [sflag:s2] =	dma.local @!p0 [hbm:s0], s1  }
0x5b: {  	s0 =	simm.s32 @!p0 $0x1  }
0x5c: {  	_ =	swait.ge @!p0 [sflag:s0], s1  }
0x5d: {  	s1 =	ssub.s32 @!p0 $0x0, s1;
	[sflag:s0] =	ssyncset.done @!p0 $0x0  }
0x5e: {  	[sflag:s0] =	ssyncadd.s32 @!p0 s1  }
0x5f: {  	[bflag:$0x3] =	sbarrier.arrive $0xFFFF  }
0x60: {  	_ =	shalt  }

// kernel: kernel.7.cloned.1.call-start
scs
__scs_entry_jumppad:
0x0: {  	(pc) =	sbr.rel $0x88, $3  }
0x1: {  	(tag) =	ssettag $0x0;
	lr =	simm.s32 $0x1  }
0x2: {  	[smem:$0x3F8E] =	sst lr;
	_ =	strace $0xD0000000  }
0x3: {  	_ = 	snop  }
0x4: {  	_ = 	snop  }
0x5: {  	_ = 	snop  }
0x6: {  	_ = 	snop  }
0x7: {  	_ = 	snop  }
__scs_overlays_trampoline_lowered:
0x8: {  	[smem:$0x3F9D] =	sst s0  }
0x9: {  	[smem:$0x3F9E] =	sst s1  }
0xa: {  	[smem:$0x3F9F] =	sst s2  }
0xb: {  	[smem:$0x3FA0] =	sst s3  }
0xc: {  	[smem:$0x3FA1] =	sst s4  }
0xd: {  	[smem:$0x3FA2] =	sst s5  }
0xe: {  	[smem:$0x3FA3] =	sst s6  }
0xf: {  	[smem:$0x3FA4] =	sst s7  }
0x10: {  	[smem:$0x3FA5] =	sst s8  }
0x11: {  	[smem:$0x3FA6] =	sst s9;
	s0 =	simm.s32 @!p0 $0x0  }
0x12: {  	s1 =	sld [smem:$0x3F8C];
	s0 =	simm.s32 @p0 $0x1  }
0x13: {  	[smem:$0x3FA7] =	sst s0;
	s0 =	simm.s32 @!p1 $0x0  }
0x14: {  	s2 =	sld [smem:$0x3F8B];
	s0 =	simm.s32 @p1 $0x1  }
0x15: {  	[smem:$0x3FA8] =	sst s0;
	s0 =	simm.s32 @!p2 $0x0  }
0x16: {  	s3 =	sld [smem:$0x3FDB];
	s0 =	simm.s32 @p2 $0x1  }
0x17: {  	s4 =	simm.s32 $0x1BF5;
	[smem:$0x3FAA] =	sst s0  }
0x18: {  	s0 =	sld [smem:$0x3F8D];
	_ =	swait.ge [sflag:s4], $0x0  }
0x19: {  	s7 =	sld [smem:$0x3F8E]  }
0x1a: {  	s8 =	sadd.s32 $0xFFFFE003, lr  }
0x1b: {  	s9 =	sadd.s32 $0xFFFFFEF7, lr;
	s5 =	simm.s32 $0xFFFFFFFF;
	p2 =	slt.u32 s8, $0xFFFFF086  }
0x1c: {  	p1 =	slt.u32 s9, $0xF7A;
	s5 =	simm.s32 @!p2 $0x0  }
0x1d: {  	s5 =	simm.s32 @p1 $0x1;
	p0 =	seq.s32 s7, s2  }
0x1e: {  	s7 =	smul.u32 @!p0 $0xF7A, s2;
	p2 =	seq.s32 @!p0 s5, $0x0  }
0x1f: {  	s9 =	smul.u32 $0xF7A, s1;
	s8 =	simm.s32 @!p0 $0x1BF5;
	p2 =	por !p2, p0  }
0x20: {  	[sflag:s8] =	ssyncset.s32 @!p0 $0xFFFFF086;
	s6 =	sadd.s32 @!p0 s3, s7;
	s7 =	simm.s32 @!p0 $0x108  }
0x21: {  	s3 =	sadd.s32 s3, s9;
	s6 =	sadd.s32 @!p0 $0x88, s6;
	s7 =	simm.s32 @p2 $0x1082  }
0x22: {  	[simem:s7], [sflag:s8] =	dma.local @!p0 [hbm:s6], $0xF7A  }
0x23: {  	s9 =	sor.u32 $0xD0000000, s2;
	s6 =	simm.s32 $0x108;
	_ =	swait.ge @!p0 [sflag:s8], $0x0  }
0x24: {  	s3 =	sadd.s32 $0x88, s3;
	s6 =	simm.s32 @!p1 $0x1082;
	[sflag:s4] =	ssyncset.s32 $0xFFFFF086  }
0x25: {  	[simem:s6], [sflag:s4] =	dma.local [hbm:s3], $0xF7A  }
0x26: {  	[smem:$0x3F8E] =	sst s1;
	(tag) =	ssettag s2;
	_ =	strace s9  }
0x27: {  	s1 =	sld [smem:$0x3F9E]  }
0x28: {  	s2 =	sld [smem:$0x3F9F]  }
0x29: {  	s4 =	sld [smem:$0x3FA1]  }
0x2a: {  	p0 =	seq.s32 s5, $0x0;
	s5 =	sld [smem:$0x3FA2]  }
0x2b: {  	s6 =	sld [smem:$0x3FA3]  }
0x2c: {  	s7 =	sld [smem:$0x3FA4]  }
0x2d: {  	s3 =	simm.s32 $0x108;
	s8 =	sld [smem:$0x3FA5]  }
0x2e: {  	s3 =	simm.s32 @!p0 $0x1082;
	s9 =	sld [smem:$0x3FA6]  }
0x2f: {  	lr =	sadd.s32 s0, s3;
	s0 =	sld [smem:$0x3F9D]  }
0x30: {  	s3 =	sld [smem:$0x3FA0]  }
0x31: {  	[smem:$0x3FA9] =	sst s10  }
0x32: {  	s10 =	sld [smem:$0x3FA7];
	_ =	sdelay $0x3  }
0x33: {  	p0 =	seq.s32 s10, $0x1;
	s10 =	sld [smem:$0x3FA9];
	_ =	sdelay $0x3  }
0x34: {  	[smem:$0x3FA9] =	sst s10  }
0x35: {  	s10 =	sld [smem:$0x3FA8];
	_ =	sdelay $0x3  }
0x36: {  	p1 =	seq.s32 s10, $0x1;
	s10 =	sld [smem:$0x3FA9];
	_ =	sdelay $0x3  }
0x37: {  	[smem:$0x3FA9] =	sst s10  }
0x38: {  	s10 =	sld [smem:$0x3FAA]  }
0x39: {  	_ = 	snop;
	(pc) =	sbr.ind lr, $3  }
0x3a: {  	_ = 	snop  }
0x3b: {  	_ = 	snop  }
0x3c: {  	p2 =	seq.s32 s10, $0x1;
	s10 =	sld [smem:$0x3FA9]  }
0x3d: {  	_ =	shalt  }
0x3e: {  	_ =	shalt  }
0x3f: {  	_ =	shalt  }
0x40: {  	_ =	shalt  }
0x41: {  	_ =	shalt  }
0x42: {  	_ =	shalt  }
0x43: {  	_ =	shalt  }
0x44: {  	_ =	shalt  }
0x45: {  	_ =	shalt  }
0x46: {  	_ =	shalt  }
0x47: {  	_ =	shalt  }
0x48: {  	_ =	shalt  }
0x49: {  	_ =	shalt  }
0x4a: {  	_ =	shalt  }
0x4b: {  	_ =	shalt  }
0x4c: {  	_ =	shalt  }
0x4d: {  	_ =	shalt  }
0x4e: {  	_ =	shalt  }
0x4f: {  	_ =	shalt  }
0x50: {  	_ =	shalt  }
0x51: {  	_ =	shalt  }
0x52: {  	_ =	shalt  }
0x53: {  	_ =	shalt  }
0x54: {  	_ =	shalt  }
0x55: {  	_ =	shalt  }
0x56: {  	_ =	shalt  }
0x57: {  	_ =	shalt  }
0x58: {  	_ =	shalt  }
0x59: {  	_ =	shalt  }
0x5a: {  	_ =	shalt  }
0x5b: {  	_ =	shalt  }
0x5c: {  	_ =	shalt  }
0x5d: {  	_ =	shalt  }
0x5e: {  	_ =	shalt  }
0x5f: {  	_ =	shalt  }
0x60: {  	_ =	shalt  }
0x61: {  	_ =	shalt  }
0x62: {  	_ =	shalt  }
0x63: {  	_ =	shalt  }
0x64: {  	_ =	shalt  }
0x65: {  	_ =	shalt  }
0x66: {  	_ =	shalt  }
0x67: {  	_ =	shalt  }
0x68: {  	_ =	shalt  }
0x69: {  	_ =	shalt  }
0x6a: {  	_ =	shalt  }
0x6b: {  	_ =	shalt  }
0x6c: {  	_ =	shalt  }
0x6d: {  	_ =	shalt  }
0x6e: {  	_ =	shalt  }
0x6f: {  	_ =	shalt  }
0x70: {  	_ =	shalt  }
0x71: {  	_ =	shalt  }
0x72: {  	_ =	shalt  }
0x73: {  	_ =	shalt  }
0x74: {  	_ =	shalt  }
0x75: {  	_ =	shalt  }
0x76: {  	_ =	shalt  }
0x77: {  	_ =	shalt  }
0x78: {  	_ =	shalt  }
0x79: {  	_ =	shalt  }
0x7a: {  	_ =	shalt  }
0x7b: {  	_ =	shalt  }
0x7c: {  	_ =	shalt  }
0x7d: {  	_ =	shalt  }
0x7e: {  	_ =	shalt  }
0x7f: {  	_ =	shalt  }
0x80: {  	_ =	shalt  }
0x81: {  	_ =	shalt  }
0x82: {  	_ =	shalt  }
0x83: {  	_ =	shalt  }
0x84: {  	_ =	shalt  }
0x85: {  	_ =	shalt  }
0x86: {  	_ =	shalt  }
0x87: {  	_ =	shalt  }
.Lfunc_end0:
.L_simem_size_0:
called_computation_lowered:
.L_overlay_start_0:
0x88: {  	s2 =	sld [smem:$0x3FD9]  }
0x89: {  	s3 =	sld [smem:$0x3FFE];
	_ =	sdelay $0x1  }
0x8a: {  	s1 =	srdreg.scid  }
0x8b: {  	s0 =	sand.u32 $0x1, s1  }
0x8c: {  	s17 =	sshll.u32 s0, $0xA;
	s2 =	sadd.s32 s3, s2  }
0x8d: {  	s2 =	sadd.s32 s2, s17  }
0x8e: {  	[smem:$0x3FB5] =	sst s2  }
0x8f: {  	_ = 	snop  }
0x90: {  	s2 =	sld [smem:$0x3FD0];
	(tm) =	ssettm $0x1  }
0x91: {  	s18 =	sld [smem:$0x3FFB];
	_ =	sdelay $0x3  }
0x92: {  	_ =	strace s18  }
0x93: {  	s3 =	sld [smem:$0x3FFC];
	_ =	sdelay $0x3  }
0x94: {  	_ =	strace s3  }
0x95: {  	s3 =	sld [smem:$0x3FFD];
	_ =	sdelay $0x3  }
0x96: {  	_ =	strace s3  }
0x97: {  	_ =	strace $0x8FFFFFFF  }
0x98: {  	s19 =	sld [smem:$0x3FDB];
	_ =	sdelay $0x1  }
0x99: {  	s4 =	simm.s32 $_scs_section_size  }
0x9a: {  	s5 =	simm.s32 $_size__tile_overlayer_lowered;
	s6 =	simm.s32 $_tile_overlayer_lowered  }
0x9b: {  	s22 =	simm.s32 $0x1BFF;
	s21 =	sshll.u32 s6, $0x1;
	s3 =	sadd.s32 s4, s19  }
0x9c: {  	s7 =	simm.s32 $0x0;
	s20 =	sshll.u32 s5, $0x1;
	s5 =	sadd.s32 s21, s3  }
0x9d: {  	[timem:s7], [sflag:s22] =	dma.local [hbm:s5], s20  }
0x9e: {  	_ =	swait.ge [sflag:s22], s20  }
0x9f: {  	s4 =	ssub.s32 $0x0, s20;
	[sflag:s22] =	ssyncset.done $0x0  }
0xa0: {  	[sflag:s22] =	ssyncadd.s32 s4;
	_ =	sdelay $0x1  }
0xa1: {  	s23 =	simm.s32 $0x1B8B  }
0xa2: {  	_ =	swait.ge [sflag:s23], $0x1  }
0xa3: {  	[sflag:s23] =	ssyncset.done $0x0  }
0xa4: {  	s25 =	simm.s32 $0x1B8E;
	s24 =	sld [smem:$0x3FFE];
	[sflag:s23] =	ssyncadd.s32 $0xFFFFFFFF  }
0xa5: {  	s26 =	simm.s32 $execute0_lowered;
	[smem:$0x3FD2] =	sst s25  }
0xa6: {  	s5 =	sshll.u32 s26, $0x1;
	_ =	strace $0x80000046;
	[dreg:$0x1] =	wrdreg $0xFFFFFFFF  }
0xa7: {  	s28 =	simm.s32 $_size_execute0_lowered;
	s3 =	sadd.s32 s3, s5;
	[dreg:$0x0] =	wrdreg $0x0  }
0xa8: {  	s5 =	sshll.u32 s28, $0x1;
	[dreg:$0x2] =	wrdreg s3  }
0xa9: {  	[dreg:$0x3] =	wrdreg s5  }
0xaa: {  	[dreg:$0x4] =	wrdreg $0xC0  }
0xab: {  	_ =	task [dreg:s7], $0x5FFFF  }
0xac: {  	[dreg:$0x1] =	wrdreg $0xFFFFFFFF  }
0xad: {  	[dreg:$0x0] =	wrdreg $0x60  }
0xae: {  	[dreg:$0x2] =	wrdreg s2  }
0xaf: {  	[dreg:$0x3] =	wrdreg s24  }
0xb0: {  	[dreg:$0x4] =	wrdreg $0x9  }
0xb1: {  	_ =	task.clear_ibuf [dreg:s7], $0x5FFFF;
	_ =	strace $0x90000046  }
0xb2: {  	s29 =	simm.s32 $0x9;
	_ =	strace $0x80000048  }
0xb3: {  	_ =	swait.ge [sflag:s29], $0x1  }
0xb4: {  	[sflag:s29] =	ssyncadd.s32 $0xFFFFFFFF  }
0xb5: {  	_ =	strace $0x90000048  }
0xb6: {  	_ =	sfence  }
0xb7: {  	s30 =	sld [smem:$0x0];
	_ =	sdelay $0x2  }
0xb8: {  	s31 =	sshll.u32 s1, $0xD;
	s1 =	sshrl.u32 s1, $0x2  }
0xb9: {  	s3 =	sand.u32 $0x4000, s31;
	s1 =	sadd.s32 s1, s30  }
0xba: {  	s0 =	sor.u32 s3, s0;
	s1 =	sshll.u32 s1, $0x11  }
0xbb: {  	s0 =	sor.u32 s1, s0  }
0xbc: {  	s0 =	sadd.s32 $0x8F2B, s0  }
0xbd: {  	[sflag:s0] =	ssyncadd.remote.s32 $0x1  }
0xbe: {  	_ =	sfence.sel $0xFFFF  }
0xbf: {  	[dreg:$0x0] =	wrdreg $0xFFFFFFFF;
	(pc) =	sbr.abs _section_cstart, $3  }
0xc0: {  	[dreg:$0x1] =	wrdreg $0xFFFFFFFF  }
0xc1: {  	_ =	task.clear_ibuf [dreg:s7], $0x2FFFF;
	_ =	strace $0x9FFFFFFF  }
0xc2: {  	(tm) =	ssettm $0x7FFFFFFF  }
0xc3: {  	_ =	shalt  }
tec
execute0_lowered:
.L_overlay_start_1:
0x0: {  	(tag) =	ssettag $0x1  }
0x1: {  	s2 =	rddreg [dreg:$0x0]  }
0x2: {  	s1 =	srdreg.scid;
	s0 =	stileid.u32  }
0x3: {  	s5 =	rddreg [dreg:$0x1];
	s3 =	simm.s32 $0x0;
	s12 =	simm.s32 $0x50  }
0x4: {  	s13 =	simm.s32 $0x4E20;
	s14 =	simm.s32 $0xCB20;
	s15 =	simm.s32 $0x6720  }
0x5: {  	s16 =	simm.s32 $0xE420;
	s17 =	simm.s32 $0x8020;
	s18 =	simm.s32 $0xFD20  }
0x6: {  	s19 =	simm.s32 $0x9920;
	s20 =	simm.s32 $0x11620;
	s21 =	simm.s32 $0xB220  }
0x7: {  	s22 =	simm.s32 $0x12F20;
	s23 =	simm.s32 $0x1;
	s24 =	simm.s32 $0x2  }
0x8: {  	s25 =	simm.s32 $0x0;
	s6 =	sand.u32 $0x1, s1;
	s4 =	sshll.u32 s0, $0x1  }
0x9: {  	[smem:$0x7FF] =	sst s3;
	s8 =	smul.u32 $0x30D40, s0;
	s4 =	sor.u32 s6, s4  }
0xa: {  	_ =	strace $0x80000047;
	s9 =	ssub.s32 $0x2, s6;
	s7 =	smul.u32 $0x2710, s4  }
0xb: {  	s11 =	smul.u32 $0x186A0, s6;
	s4 =	sadd.s32 $0x4C00, s5;
	s10 =	sshrl.u32 s9, $0x1  }
0xc: {  	s8 =	sadd.s32 s8, s5;
	s9 =	ssub.s32 s9, s10;
	s7 =	sshrl.u32 s7, $0x3  }
0xd: {  	s31 =	sadd.s32 s11, s8;
	s10 =	simm.s32 $0x3;
	s7 =	sadd.s32 s7, s5  }
0xe: {  	s11 =	simm.s32 $0x2710;
	s8 =	sadd.s32 $0x33E400, s31;
	s5 =	sadd.s32 $0x27200, s7  }
0xf: {  	s6 =	sadd.s32 $0x1D400, s7;
	s7 =	smax.u32 s9, $0x1;
	s9 =	sadd.s32 $0x31000, s31  }
.LBB2_1:
0x10: {  	[tilespmem:s3], [sflag:$0x3] =	stream.linear.gather [hbm4b:s5+s3], $0x2710, $0x38;
	[tilespmem:$0x14820] =	vst v63  }
0x11: {  	_ =	swait.ge [sflag:s10], $0x2710  }
0x12: {  	[sflag:s10] =	ssyncset.done $0x0  }
0x13: {  	[sflag:s10] =	ssyncadd.s32 $0xFFFFD8F0  }
0x14: {  	[tilespmem:s11], [sflag:$0x3] =	stream.linear.gather [hbm4b:s6+s3], $0x2710, $0x38;
	[tilespmem:$0x14820] =	vst v63  }
0x15: {  	_ =	swait.ge [sflag:s10], $0x2710  }
0x16: {  	p0 =	por $0x1, $0x1;
	[sflag:s10] =	ssyncset.done $0x0  }
0x17: {  	s26 =	simm.s32 @!p0 $0x2;
	[sflag:s10] =	ssyncadd.s32 $0xFFFFD8F0  }
0x18: {  	_ =	swait.ge @!p0 [sflag:s26], $0x7D00  }
0x19: {  	[sflag:s26] =	ssyncset.done @!p0 $0x0  }
0x1a: {  	[sflag:s26] =	ssyncadd.s32 @!p0 $0xFFFF8300  }
0x1b: {  	_ =	swait.ge @!p0 [sflag:s26], $0x7D00  }
0x1c: {  	[sflag:s26] =	ssyncset.done @!p0 $0x0  }
0x1d: {  	s0 =	simm.s32 $0x0;
	[sflag:s26] =	ssyncadd.s32 @!p0 $0xFFFF8300  }
0x1e: {  	[tilespmem:s13], [sflag:$0x1] =	stream.indirect.gather [hbm4b:s2+s12], $0x50, s0, s12, $0xb8;
	[tilespmem:$0x14820] =	vst v63  }
0x1f: {  	s1 =	simm.s32 $0x2710  }
0x20: {  	[tilespmem:s14], [sflag:$0x1] =	stream.indirect.gather [hbm4b:s4+s12], $0x50, s1, s12, $0xb8;
	[tilespmem:$0x14820] =	vst v63  }
0x21: {  	s0 =	simm.s32 $0x50  }
0x22: {  	[tilespmem:s15], [sflag:$0x1] =	stream.indirect.gather [hbm4b:s2+s12], $0x50, s0, s12, $0xb8;
	[tilespmem:$0x14820] =	vst v63  }
0x23: {  	s1 =	simm.s32 $0x2760  }
0x24: {  	[tilespmem:s16], [sflag:$0x1] =	stream.indirect.gather [hbm4b:s4+s12], $0x50, s1, s12, $0xb8;
	[tilespmem:$0x14820] =	vst v63  }
0x25: {  	s0 =	simm.s32 $0xA0  }
0x26: {  	[tilespmem:s17], [sflag:$0x1] =	stream.indirect.gather [hbm4b:s2+s12], $0x50, s0, s12, $0xb8;
	[tilespmem:$0x14820] =	vst v63  }
0x27: {  	s1 =	simm.s32 $0x27B0  }
0x28: {  	[tilespmem:s18], [sflag:$0x1] =	stream.indirect.gather [hbm4b:s4+s12], $0x50, s1, s12, $0xb8;
	[tilespmem:$0x14820] =	vst v63  }
0x29: {  	s0 =	simm.s32 $0xF0  }
0x2a: {  	[tilespmem:s19], [sflag:$0x1] =	stream.indirect.gather [hbm4b:s2+s12], $0x50, s0, s12, $0xb8;
	[tilespmem:$0x14820] =	vst v63  }
0x2b: {  	s1 =	simm.s32 $0x2800  }
0x2c: {  	[tilespmem:s20], [sflag:$0x1] =	stream.indirect.gather [hbm4b:s4+s12], $0x50, s1, s12, $0xb8;
	[tilespmem:$0x14820] =	vst v63  }
0x2d: {  	s0 =	simm.s32 $0x140  }
0x2e: {  	[tilespmem:s21], [sflag:$0x1] =	stream.indirect.gather [hbm4b:s2+s12], $0x50, s0, s12, $0xb8;
	[tilespmem:$0x14820] =	vst v63  }
0x2f: {  	s1 =	simm.s32 $0x2850  }
0x30: {  	[tilespmem:s22], [sflag:$0x1] =	stream.indirect.gather [hbm4b:s4+s12], $0x50, s1, s12, $0xb8;
	[tilespmem:$0x14820] =	vst v63  }
0x31: {  	_ =	swait.ge [sflag:s23], $0x1900  }
0x32: {  	[sflag:s23] =	ssyncset.done $0x0  }
0x33: {  	[sflag:s23] =	ssyncadd.s32 $0xFFFFE700  }
0x34: {  	_ =	swait.ge [sflag:s23], $0x1900  }
0x35: {  	[sflag:s23] =	ssyncset.done $0x0  }
0x36: {  	[sflag:s23] =	ssyncadd.s32 $0xFFFFE700  }
0x37: {  	_ =	swait.ge [sflag:s23], $0x1900  }
0x38: {  	[sflag:s23] =	ssyncset.done $0x0  }
0x39: {  	[sflag:s23] =	ssyncadd.s32 $0xFFFFE700  }
0x3a: {  	_ =	swait.ge [sflag:s23], $0x1900  }
0x3b: {  	[sflag:s23] =	ssyncset.done $0x0  }
0x3c: {  	[sflag:s23] =	ssyncadd.s32 $0xFFFFE700  }
0x3d: {  	_ =	swait.ge [sflag:s23], $0x1900  }
0x3e: {  	[sflag:s23] =	ssyncset.done $0x0  }
0x3f: {  	[sflag:s23] =	ssyncadd.s32 $0xFFFFE700  }
0x40: {  	_ =	swait.ge [sflag:s23], $0x1900  }
0x41: {  	[sflag:s23] =	ssyncset.done $0x0  }
0x42: {  	[sflag:s23] =	ssyncadd.s32 $0xFFFFE700  }
0x43: {  	_ =	swait.ge [sflag:s23], $0x1900  }
0x44: {  	[sflag:s23] =	ssyncset.done $0x0  }
0x45: {  	[sflag:s23] =	ssyncadd.s32 $0xFFFFE700  }
0x46: {  	_ =	swait.ge [sflag:s23], $0x1900  }
0x47: {  	[sflag:s23] =	ssyncset.done $0x0  }
0x48: {  	[sflag:s23] =	ssyncadd.s32 $0xFFFFE700  }
0x49: {  	_ =	swait.ge [sflag:s23], $0x1900  }
0x4a: {  	[sflag:s23] =	ssyncset.done $0x0  }
0x4b: {  	[sflag:s23] =	ssyncadd.s32 $0xFFFFE700  }
0x4c: {  	s29 =	simm.s32 $0x640;
	s30 =	simm.s32 $0xC80;
	_ =	swait.ge [sflag:s23], $0x1900  }
0x4d: {  	p1 =	por $0x0, $0x0;
	s28 =	smov.u32 s8;
	[sflag:s23] =	ssyncset.done $0x0  }
0x4e: {  	s31 =	smov.u32 s9;
	s26 =	sadd.s32 $0xFA0, s9;
	[sflag:s23] =	ssyncadd.s32 $0xFFFFE700  }
0x4f: {  	[hbm4b:s8+s3] =	stream.linear.scatter [tilespmem:s13], [sflag:$0x2], $0x7D00, $0x38;
	[tilespmem:$0x14820] =	vst v63  }
.LBB2_2:
0x50: {  	s1 =	simm.s32 @!p1 $0x2  }
0x51: {  	s28 =	sadd.s32 $0xFA0, s28;
	s0 =	smov.u32 s30;
	s30 =	sadd.s32 $0x640, s30  }
0x52: {  	[hbm4b:s31+s3] =	stream.linear.scatter [tilespmem:s14], [sflag:$0x2], $0x7D00, $0x38;
	[tilespmem:$0x14820] =	vst v63  }
0x53: {  	p0 =	sne.s32 s30, $0x9C40;
	s31 =	smov.u32 s26;
	_ =	swait.ge @!p1 [sflag:s1], $0x7D00  }
0x54: {  	[sflag:s1] =	ssyncset.done @!p1 $0x0  }
0x55: {  	[sflag:s1] =	ssyncadd.s32 @!p1 $0xFFFF8300  }
0x56: {  	_ =	swait.ge @!p1 [sflag:s1], $0x7D00  }
0x57: {  	[sflag:s1] =	ssyncset.done @!p1 $0x0  }
0x58: {  	[sflag:s1] =	ssyncadd.s32 @!p1 $0xFFFF8300;
	s1 =	sshra.s32 s29, $0x2;
	s29 =	smov.u32 s0  }
0x59: {  	[tilespmem:s13], [sflag:$0x1] =	stream.indirect.gather [hbm4b:s2+s12], $0x50, s1, s12, $0xb8;
	[tilespmem:$0x14820] =	vst v63  }
0x5a: {  	s0 =	sadd.s32 $0x2710, s1  }
0x5b: {  	[tilespmem:s14], [sflag:$0x1] =	stream.indirect.gather [hbm4b:s4+s12], $0x50, s0, s12, $0xb8;
	[tilespmem:$0x14820] =	vst v63  }
0x5c: {  	s0 =	sadd.s32 $0x50, s1  }
0x5d: {  	[tilespmem:s15], [sflag:$0x1] =	stream.indirect.gather [hbm4b:s2+s12], $0x50, s0, s12, $0xb8;
	[tilespmem:$0x14820] =	vst v63  }
0x5e: {  	s0 =	sadd.s32 $0x2760, s1  }
0x5f: {  	[tilespmem:s16], [sflag:$0x1] =	stream.indirect.gather [hbm4b:s4+s12], $0x50, s0, s12, $0xb8;
	[tilespmem:$0x14820] =	vst v63  }
0x60: {  	s0 =	sadd.s32 $0xA0, s1  }
0x61: {  	[tilespmem:s17], [sflag:$0x1] =	stream.indirect.gather [hbm4b:s2+s12], $0x50, s0, s12, $0xb8;
	[tilespmem:$0x14820] =	vst v63  }
0x62: {  	s0 =	sadd.s32 $0x27B0, s1  }
0x63: {  	[tilespmem:s18], [sflag:$0x1] =	stream.indirect.gather [hbm4b:s4+s12], $0x50, s0, s12, $0xb8;
	[tilespmem:$0x14820] =	vst v63  }
0x64: {  	s0 =	sadd.s32 $0xF0, s1  }
0x65: {  	[tilespmem:s19], [sflag:$0x1] =	stream.indirect.gather [hbm4b:s2+s12], $0x50, s0, s12, $0xb8;
	[tilespmem:$0x14820] =	vst v63  }
0x66: {  	s0 =	sadd.s32 $0x2800, s1  }
0x67: {  	[tilespmem:s20], [sflag:$0x1] =	stream.indirect.gather [hbm4b:s4+s12], $0x50, s0, s12, $0xb8;
	[tilespmem:$0x14820] =	vst v63  }
0x68: {  	s0 =	sadd.s32 $0x140, s1  }
0x69: {  	[tilespmem:s21], [sflag:$0x1] =	stream.indirect.gather [hbm4b:s2+s12], $0x50, s0, s12, $0xb8;
	[tilespmem:$0x14820] =	vst v63  }
0x6a: {  	s0 =	sadd.s32 $0x2850, s1  }
0x6b: {  	[tilespmem:s22], [sflag:$0x1] =	stream.indirect.gather [hbm4b:s4+s12], $0x50, s0, s12, $0xb8;
	[tilespmem:$0x14820] =	vst v63  }
0x6c: {  	_ =	swait.ge [sflag:s23], $0x1900  }
0x6d: {  	[sflag:s23] =	ssyncset.done $0x0  }
0x6e: {  	[sflag:s23] =	ssyncadd.s32 $0xFFFFE700  }
0x6f: {  	_ =	swait.ge [sflag:s23], $0x1900  }
0x70: {  	[sflag:s23] =	ssyncset.done $0x0  }
0x71: {  	[sflag:s23] =	ssyncadd.s32 $0xFFFFE700  }
0x72: {  	_ =	swait.ge [sflag:s23], $0x1900  }
0x73: {  	[sflag:s23] =	ssyncset.done $0x0  }
0x74: {  	[sflag:s23] =	ssyncadd.s32 $0xFFFFE700  }
0x75: {  	_ =	swait.ge [sflag:s23], $0x1900  }
0x76: {  	[sflag:s23] =	ssyncset.done $0x0  }
0x77: {  	[sflag:s23] =	ssyncadd.s32 $0xFFFFE700  }
0x78: {  	_ =	swait.ge [sflag:s23], $0x1900  }
0x79: {  	[sflag:s23] =	ssyncset.done $0x0  }
0x7a: {  	[sflag:s23] =	ssyncadd.s32 $0xFFFFE700  }
0x7b: {  	_ =	swait.ge [sflag:s23], $0x1900  }
0x7c: {  	[sflag:s23] =	ssyncset.done $0x0  }
0x7d: {  	[sflag:s23] =	ssyncadd.s32 $0xFFFFE700  }
0x7e: {  	_ =	swait.ge [sflag:s23], $0x1900  }
0x7f: {  	[sflag:s23] =	ssyncset.done $0x0  }
0x80: {  	[sflag:s23] =	ssyncadd.s32 $0xFFFFE700  }
0x81: {  	_ =	swait.ge [sflag:s23], $0x1900  }
0x82: {  	[sflag:s23] =	ssyncset.done $0x0  }
0x83: {  	[sflag:s23] =	ssyncadd.s32 $0xFFFFE700  }
0x84: {  	_ =	swait.ge [sflag:s23], $0x1900  }
0x85: {  	[sflag:s23] =	ssyncset.done $0x0  }
.Ltmp0:
0x86: {  	[sflag:s23] =	ssyncadd.s32 $0xFFFFE700;
	(pc) =	sbr.rel @p0 .LBB2_2-.Ltmp0, $4  }
0x87: {  	_ =	swait.ge [sflag:s23], $0x1900  }
0x88: {  	[sflag:s23] =	ssyncset.done $0x0  }
0x89: {  	s26 =	sadd.s32 $0xFA0, s26;
	p1 =	seq.s32 s29, $0x0;
	[sflag:s23] =	ssyncadd.s32 $0xFFFFE700  }
0x8a: {  	[hbm4b:s28+s3] =	stream.linear.scatter [tilespmem:s13], [sflag:$0x2], $0x7D00, $0x38;
	[tilespmem:$0x14820] =	vst v63  }
0x8b: {  	s0 =	simm.s32 @!p1 $0x2  }
0x8c: {  	[hbm4b:s31+s3] =	stream.linear.scatter [tilespmem:s14], [sflag:$0x2], $0x7D00, $0x38;
	[tilespmem:$0x14820] =	vst v63  }
0x8d: {  	_ =	swait.ge @!p1 [sflag:s0], $0x7D00  }
0x8e: {  	[sflag:s0] =	ssyncset.done @!p1 $0x0  }
0x8f: {  	[sflag:s0] =	ssyncadd.s32 @!p1 $0xFFFF8300  }
0x90: {  	_ =	swait.ge @!p1 [sflag:s0], $0x7D00  }
0x91: {  	[sflag:s0] =	ssyncset.done @!p1 $0x0  }
0x92: {  	[sflag:s0] =	ssyncadd.s32 @!p1 $0xFFFF8300;
	s0 =	sshra.s32 s29, $0x2  }
0x93: {  	[tilespmem:s13], [sflag:$0x1] =	stream.indirect.gather [hbm4b:s2+s12], $0x50, s0, s12, $0xb8;
	[tilespmem:$0x14820] =	vst v63  }
0x94: {  	s1 =	sadd.s32 $0x2710, s0  }
0x95: {  	[tilespmem:s14], [sflag:$0x1] =	stream.indirect.gather [hbm4b:s4+s12], $0x50, s1, s12, $0xb8;
	[tilespmem:$0x14820] =	vst v63  }
0x96: {  	s30 =	sadd.s32 $0x50, s0  }
0x97: {  	[tilespmem:s15], [sflag:$0x1] =	stream.indirect.gather [hbm4b:s2+s12], $0x50, s30, s12, $0xb8;
	[tilespmem:$0x14820] =	vst v63  }
0x98: {  	s31 =	sadd.s32 $0x2760, s0  }
0x99: {  	[tilespmem:s16], [sflag:$0x1] =	stream.indirect.gather [hbm4b:s4+s12], $0x50, s31, s12, $0xb8;
	[tilespmem:$0x14820] =	vst v63  }
0x9a: {  	s29 =	sadd.s32 $0xA0, s0  }
0x9b: {  	[tilespmem:s17], [sflag:$0x1] =	stream.indirect.gather [hbm4b:s2+s12], $0x50, s29, s12, $0xb8;
	[tilespmem:$0x14820] =	vst v63  }
0x9c: {  	s30 =	sadd.s32 $0x27B0, s0  }
0x9d: {  	[tilespmem:s18], [sflag:$0x1] =	stream.indirect.gather [hbm4b:s4+s12], $0x50, s30, s12, $0xb8;
	[tilespmem:$0x14820] =	vst v63  }
0x9e: {  	s31 =	sadd.s32 $0xF0, s0  }
0x9f: {  	[tilespmem:s19], [sflag:$0x1] =	stream.indirect.gather [hbm4b:s2+s12], $0x50, s31, s12, $0xb8;
	[tilespmem:$0x14820] =	vst v63  }
0xa0: {  	s29 =	sadd.s32 $0x2800, s0  }
0xa1: {  	[tilespmem:s20], [sflag:$0x1] =	stream.indirect.gather [hbm4b:s4+s12], $0x50, s29, s12, $0xb8;
	[tilespmem:$0x14820] =	vst v63  }
0xa2: {  	s30 =	sadd.s32 $0x140, s0  }
0xa3: {  	[tilespmem:s21], [sflag:$0x1] =	stream.indirect.gather [hbm4b:s2+s12], $0x50, s30, s12, $0xb8;
	[tilespmem:$0x14820] =	vst v63  }
0xa4: {  	s0 =	sadd.s32 $0x2850, s0  }
0xa5: {  	[tilespmem:s22], [sflag:$0x1] =	stream.indirect.gather [hbm4b:s4+s12], $0x50, s0, s12, $0xb8;
	[tilespmem:$0x14820] =	vst v63  }
0xa6: {  	_ =	swait.ge [sflag:s23], $0x1900  }
0xa7: {  	[sflag:s23] =	ssyncset.done $0x0  }
0xa8: {  	[sflag:s23] =	ssyncadd.s32 $0xFFFFE700  }
0xa9: {  	_ =	swait.ge [sflag:s23], $0x1900  }
0xaa: {  	[sflag:s23] =	ssyncset.done $0x0  }
0xab: {  	[sflag:s23] =	ssyncadd.s32 $0xFFFFE700  }
0xac: {  	_ =	swait.ge [sflag:s23], $0x1900  }
0xad: {  	[sflag:s23] =	ssyncset.done $0x0  }
0xae: {  	[sflag:s23] =	ssyncadd.s32 $0xFFFFE700  }
0xaf: {  	_ =	swait.ge [sflag:s23], $0x1900  }
0xb0: {  	[sflag:s23] =	ssyncset.done $0x0  }
0xb1: {  	[sflag:s23] =	ssyncadd.s32 $0xFFFFE700  }
0xb2: {  	_ =	swait.ge [sflag:s23], $0x1900  }
0xb3: {  	[sflag:s23] =	ssyncset.done $0x0  }
0xb4: {  	[sflag:s23] =	ssyncadd.s32 $0xFFFFE700  }
0xb5: {  	_ =	swait.ge [sflag:s23], $0x1900  }
0xb6: {  	[sflag:s23] =	ssyncset.done $0x0  }
0xb7: {  	[sflag:s23] =	ssyncadd.s32 $0xFFFFE700  }
0xb8: {  	_ =	swait.ge [sflag:s23], $0x1900  }
0xb9: {  	[sflag:s23] =	ssyncset.done $0x0  }
0xba: {  	[sflag:s23] =	ssyncadd.s32 $0xFFFFE700  }
0xbb: {  	_ =	swait.ge [sflag:s23], $0x1900  }
0xbc: {  	[sflag:s23] =	ssyncset.done $0x0  }
0xbd: {  	[sflag:s23] =	ssyncadd.s32 $0xFFFFE700  }
0xbe: {  	_ =	swait.ge [sflag:s23], $0x1900  }
0xbf: {  	[sflag:s23] =	ssyncset.done $0x0  }
0xc0: {  	[sflag:s23] =	ssyncadd.s32 $0xFFFFE700  }
0xc1: {  	_ =	swait.ge [sflag:s23], $0x1900  }
0xc2: {  	[sflag:s23] =	ssyncset.done $0x0  }
0xc3: {  	s31 =	sadd.s32 $0xFA0, s28;
	[sflag:s23] =	ssyncadd.s32 $0xFFFFE700  }
0xc4: {  	[hbm4b:s31+s3] =	stream.linear.scatter [tilespmem:s13], [sflag:$0x2], $0x7D00, $0x38;
	[tilespmem:$0x14820] =	vst v63  }
0xc5: {  	s25 =	sadd.s32 $0x1, s25  }
0xc6: {  	[hbm4b:s26+s3] =	stream.linear.scatter [tilespmem:s14], [sflag:$0x2], $0x7D00, $0x38;
	[tilespmem:$0x14820] =	vst v63  }
0xc7: {  	p0 =	sne.s32 s25, s7;
	_ =	swait.ge [sflag:s24], $0x7D00  }
.Ltmp1:
0xc8: {  	[sflag:s24] =	ssyncset.done $0x0;
	(pc) =	sbr.rel @p0 .LBB2_1-.Ltmp1, $4  }
0xc9: {  	[sflag:s24] =	ssyncadd.s32 $0xFFFF8300  }
0xca: {  	_ =	swait.ge [sflag:s24], $0x7D00  }
0xcb: {  	[sflag:s24] =	ssyncset.done $0x0  }
0xcc: {  	[sflag:s24] =	ssyncadd.s32 $0xFFFF8300  }
0xcd: {  	_ =	sfence.sel $0x180000  }
0xce: {  	[bflag:$0x0] =	sbarrier.arrive $0xFFFF  }
0xcf: {  	_ =	strace $0x90000047  }
0xd0: {  	s0 =	stileid.u32;
	[bflag:$0x2] =	sbarrier.arrive $0xFFFF  }
0xd1: {  	p0 =	sne.s32 s0, $0x0;
	s0 =	rddreg [dreg:$0x2]  }
0xd2: {  	s0 =	sadd.s32 @!p0 $0x100000, s0  }
0xd3: {  	[sflag:s0] =	ssyncadd.tile.s32 @!p0 $0x1;
	_ =	shalt  }
.Lfunc_end2:
_tile_overlayer_lowered:
.L_overlay_start_2:
0xd4: {  	(tag) =	ssettag $0x2  }
0xd5: {  	s0 =	rddreg [dreg:$0x0];
	s2 =	stileid.u32  }
0xd6: {  	s1 =	rddreg [dreg:$0x1];
	p0 =	sne.s32 s2, $0x0  }
0xd7: {  	s3 =	rddreg [dreg:$0x2];
	[bflag:$0x3] =	sbarrier.arrive $0xFFFF;
	s2 =	simm.s32 @!p0 $0x1C03  }
0xd8: {  	[timem:s3], [sflag:s2] =	dma.local @!p0 [hbm:s0], s1  }
0xd9: {  	s0 =	simm.s32 @!p0 $0x3  }
0xda: {  	_ =	swait.ge @!p0 [sflag:s0], s1  }
0xdb: {  	s1 =	ssub.s32 @!p0 $0x0, s1;
	[sflag:s0] =	ssyncset.done @!p0 $0x0  }
0xdc: {  	[sflag:s0] =	ssyncadd.s32 @!p0 s1  }
0xdd: {  	[bflag:$0x3] =	sbarrier.arrive $0xFFFF  }
0xde: {  	_ =	shalt  }

</sc_bundles>
